<compile_context>
chip_gen: v7x
topology: tpu7x:2x2x1
jax: 0.10.2.dev20260603
libtpu: 0.0.44.dev20260713+nightly
codegen_flags: <defaults>
</compile_context>

<pallas_src>
import functools

import jax
import jax.numpy as jnp
from jax import lax
from jax.experimental import pallas as pl
from jax.experimental.pallas import tpu as pltpu
from jax.experimental.pallas import tpu_sc as plsc

N = 10000
E = 160000
D = 16
DD = 256
NCORE = 2
NSUB = 16
NW = NCORE * NSUB
RPF = DD // NW
EHB = E // 128
CHB = 5
CH = CHB * 128
NCH = EHB // CHB
NBUF = 2
NSTEP = NCH // NBUF


def _sc_corr_kernel(st, ct, dst_hbm, out_hbm, sbuf, cbuf, ibuf, acc,
                    gsem0, gsem1):
    cid = lax.axis_index("c")
    sid = lax.axis_index("s")
    wid = sid * NCORE + cid
    r0 = wid * RPF
    dmaj = wid // 2
    ehi = wid % 2
    gsem = (gsem0, gsem1)

    def gather(t, b):
        return (
            pltpu.make_async_copy(
                st.at[dmaj, ehi, pl.ds(t * CHB, CHB)], sbuf.at[b], gsem[b]),
            pltpu.make_async_copy(
                ct.at[dmaj, ehi, pl.ds(t * CHB, CHB)], cbuf.at[b], gsem[b]),
            pltpu.make_async_copy(
                dst_hbm.at[pl.ds(t * CH, CH)], ibuf.at[b], gsem[b]),
        )

    for b in range(NBUF):
        for cp in gather(b, b):
            cp.start()

    zero = jnp.zeros((16,), jnp.float32)

    def _z(i, _):
        for r in range(RPF):
            acc[r, pl.ds(i * 16, 16)] = zero
        return 0

    lax.fori_loop(0, N // 16, _z, 0)

    def _step(stp, _):
        for b in range(NBUF):
            t = stp * NBUF + b
            for cp in gather(t, b):
                cp.wait()

            @plsc.parallel_loop(0, CHB * 8, 1, unroll=4)
            def _grp(j):
                ib = j // 8
                g = j % 8
                idx = ibuf[b, pl.ds(j * 16, 16)]
                lsl = pl.ds(g * 16, 16)
                for r in range(RPF):
                    p = sbuf[b, ib, r, lsl] * cbuf[b, ib, r, lsl]
                    plsc.addupdate_scatter(acc.at[r], [idx], p)

            @pl.when(t + NBUF < NCH)
            def _():
                for cp in gather(t + NBUF, b):
                    cp.start()
        return 0

    lax.fori_loop(0, NSTEP, _step, 0)

    pltpu.sync_copy(acc, out_hbm.at[pl.ds(r0, RPF)])


@functools.cache
def _sc_corr():
    return functools.partial(
        pl.kernel,
        mesh=plsc.VectorSubcoreMesh(core_axis_name="c", subcore_axis_name="s"),
        out_type=jax.ShapeDtypeStruct((DD, N), jnp.float32),
        scratch_types=[
            pltpu.VMEM((NBUF, CHB, RPF, 128), jnp.float32),
            pltpu.VMEM((NBUF, CHB, RPF, 128), jnp.float32),
            pltpu.VMEM((NBUF, CH), jnp.int32),
            pltpu.VMEM((RPF, N), jnp.float32),
            pltpu.SemaphoreType.DMA,
            pltpu.SemaphoreType.DMA,
        ],
        compiler_params=pltpu.CompilerParams(use_tc_tiling_on_sc=False,
                                             needs_layout_passes=False),
    )(_sc_corr_kernel)


def _tc_tail_kernel(corrt_ref, m_ref, bd1_ref, b1_ref, bd2_ref, b2_ref,
                    wft_ref, biast_ref, out_ref):
    ctr = corrt_ref[...]
    scores = lax.dot_general(m_ref[...], ctr,
                             (((1,), (0,)), ((), ())),
                             preferred_element_type=jnp.float32)
    s = scores - jnp.max(scores)
    e = jnp.exp(s)
    att = e / jnp.sum(e)
    ci = lax.dot_general(att, ctr, (((1,), (1,)), ((), ())),
                         preferred_element_type=jnp.float32)
    fi = lax.dot_general(ci, bd1_ref[...], (((1,), (0,)), ((), ())),
                         preferred_element_type=jnp.float32)
    fi = jnp.maximum(fi + b1_ref[...], 0.0)
    fi = 1.0 / (1.0 + jnp.exp(-fi))
    fi2 = lax.dot_general(fi, bd2_ref[...], (((1,), (0,)), ((), ())),
                          preferred_element_type=jnp.float32)
    fi2 = jnp.maximum(fi2 + b2_ref[...], 0.0)
    out = lax.dot_general(fi2, wft_ref[...], (((1,), (0,)), ((), ())),
                          preferred_element_type=jnp.float32)
    out_ref[...] = out + biast_ref[...]


def kernel(Sij, Cijj, dst, Wc, alphaC, alphaf, b, w, Wf, bias, W1, b1, W2, b2):
    def _tile_view(x):
        return (x.transpose(1, 2, 0)
                 .reshape(D, 2, 8, EHB, 128)
                 .transpose(0, 1, 3, 2, 4))

    corr_t = _sc_corr()(_tile_view(Sij), _tile_view(Cijj), dst)

    u = (w @ Wc).reshape(D)
    v = alphaC.reshape(D)
    m = (u[:, None] * v[None, :]).reshape(1, DD)
    eye_d = jnp.eye(D, dtype=jnp.float32)
    bd1 = (eye_d[:, None, :, None] * W1.T[None, :, None, :]).reshape(DD, D * 256)
    b1big = jnp.tile(b1, D).reshape(1, D * 256)
    eye_f = jnp.eye(256, dtype=jnp.float32)
    bd2 = (W2.reshape(D, 1, 1) * eye_f[None, :, :]).reshape(D * 256, 256)
    b2big = jnp.full((1, 256), b2[0], dtype=jnp.float32)

    P = pl.pallas_call(
        _tc_tail_kernel,
        out_shape=jax.ShapeDtypeStruct((1, D), jnp.float32),
    )(corr_t, m, bd1, b1big, bd2, b2big, Wf.T, bias.T)
    return P

# --- scband reference (transcript-rebuilt; emitter-appended) ---
"""Pipeline reference for scband-gatlayer-71889162600567 (READ-ONLY COPY).

The authoritative reference and input builder live on the scoring server;
editing this copy changes nothing except your own understanding.
"""

import jax, jax.numpy as jnp
import numpy as np

N = 10000
E = 160000
D = 16
OUT = 16
FDIM = 256


def setup_inputs(seed: int = 0) -> dict:
    key = jax.random.key(seed)
    ks = jax.random.split(key, 16)
    Sij = jax.random.normal(ks[0], (E, D, D), dtype=jnp.float32)
    Cijj = jax.random.normal(ks[1], (E, D, D), dtype=jnp.float32)
    dst = jax.random.randint(ks[2], (E,), 0, N, dtype=jnp.int32)
    # learned parameters (per __init__: Wc, alphaC, alphaf, b, w, Wf, bias, fc1, fc2)
    Wc = jax.random.normal(ks[3], (OUT, D), dtype=jnp.float32) * 0.1
    alphaC = jax.random.normal(ks[4], (D, 1), dtype=jnp.float32) * 0.1
    alphaf = jax.random.normal(ks[5], (FDIM, 1), dtype=jnp.float32) * 0.1
    b = jax.random.normal(ks[6], (OUT, 1), dtype=jnp.float32) * 0.1
    w = jax.random.normal(ks[7], (1, OUT), dtype=jnp.float32) * 0.1
    Wf = jax.random.normal(ks[8], (OUT, FDIM), dtype=jnp.float32) * 0.1
    bias = jax.random.normal(ks[9], (OUT, 1), dtype=jnp.float32) * 0.1
    W1 = jax.random.normal(ks[10], (FDIM, D), dtype=jnp.float32) * 0.1
    b1 = jax.random.normal(ks[11], (FDIM,), dtype=jnp.float32) * 0.1
    W2 = jax.random.normal(ks[12], (1, D), dtype=jnp.float32) * 0.1
    b2 = jax.random.normal(ks[13], (1,), dtype=jnp.float32) * 0.1
    return {"Sij": Sij, "Cijj": Cijj, "dst": dst, "Wc": Wc, "alphaC": alphaC,
            "alphaf": alphaf, "b": b, "w": w, "Wf": Wf, "bias": bias,
            "W1": W1, "b1": b1, "W2": W2, "b2": b2}


def reference(Sij, Cijj, dst, Wc, alphaC, alphaf, b, w, Wf, bias, W1, b1, W2, b2):
    # apply_edges caculateSijjCijj: per-edge elementwise product
    prod = Sij * Cijj  # [E, D, D]
    # update_all message/reduce: sum incoming-edge messages per dst node
    corr = jax.ops.segment_sum(prod, dst, num_segments=N)  # [N, D, D] = 'correlation'
    # apply_nodes attention: scalar score per node, softmax across all nodes
    WcC = jnp.einsum('od,nde->noe', Wc, corr)          # Wc @ correlation[n]
    WcCa = jnp.einsum('noe,ez->noz', WcC, alphaC)      # [N, OUT, 1]
    Wfaf = Wf @ alphaf                                  # [OUT, 1]
    att_add = WcCa + (Wfaf + b)[None, :, :]             # [N, OUT, 1]
    scores = jnp.matmul(w, att_add).reshape(N, 1)       # w @ (att_add + b) per node -> [N,1]
    att = jax.nn.softmax(scores, axis=0)                # softmax over nodes
    # caculateCi + Ci_sum: attention-weighted sum of correlations over all nodes
    Ci = jnp.sum(att[:, :, None] * corr, axis=0)        # [D, D]
    # fc1 (Linear(in_dim->F) + ReLU), sigmoid
    Fi = jax.nn.relu(Ci @ W1.T + b1)                    # [D, FDIM]
    Fi = jax.nn.sigmoid(Fi)
    # fc2 (Linear(in_dim->1) + ReLU) applied to Fi.t()
    Fi2 = jax.nn.relu(Fi.T @ W2.T + b2)                 # [FDIM, 1]
    P = (Wf @ Fi2 + bias).T                             # [1, OUT]
    return P

if __name__ == "__main__":
    import jax
    _d = setup_inputs()
    print(jax.jit(kernel)(*tuple(_d.values())))

</pallas_src>

<mosaic_0001>
#map = affine_map<(d0, d1) -> (0, 0, 0, 0, 0)>
#map1 = affine_map<(d0, d1) -> (0)>
#map2 = affine_map<(d0, d1) -> (0, 0)>
module attributes {stable_mosaic.version = 14 : i64} {
  func.func @_sc_corr_kernel(%arg0: i32, %arg1: i32, %arg2: memref<16x2x1250x8x128xf32, #tpu.memory_space<hbm>>, %arg3: memref<16x2x1250x8x128xf32, #tpu.memory_space<hbm>>, %arg4: memref<160000xi32, #tpu.memory_space<hbm>>, %arg5: memref<256x10000xf32, #tpu.memory_space<hbm>>, %arg6: memref<2x5x8x128xf32, #tpu.memory_space<vmem>>, %arg7: memref<2x5x8x128xf32, #tpu.memory_space<vmem>>, %arg8: memref<2x640xi32, #tpu.memory_space<vmem>>, %arg9: memref<8x10000xf32, #tpu.memory_space<vmem>>, %arg10: memref<!tpu.dma_semaphore, #tpu.memory_space<semaphore_mem>>, %arg11: memref<!tpu.dma_semaphore, #tpu.memory_space<semaphore_mem>>) attributes {dimension_semantics = [#tpu.dimension_semantics<core_parallel>, #tpu.dimension_semantics<subcore_parallel>], iteration_bounds = array<i64: 2, 16>, scalar_prefetch = 0 : i64, scratch_operands = 6 : i64, tpu.core_type = #tpu.core_type<sc_vector_subcore>, window_params = [{transform_indices = #map}, {transform_indices = #map}, {transform_indices = #map1}, {transform_indices = #map2}]} {
    %mul3A = arith.constant 2 : i32
    %mul3A_0 = arith.muli %arg1, %mul3A : i32
    %add3A = arith.addi %mul3A_0, %arg0 : i32
    %mul3A_1 = arith.constant 8 : i32
    %mul3A_2 = arith.muli %add3A, %mul3A_1 : i32
    %jit3A = arith.constant 2 : i32
    %div3A = arith.divsi %add3A, %jit3A : i32
    %sign3A = arith.constant 0 : i32
    %sign3A_3 = arith.cmpi sgt, %add3A, %sign3A : i32
    %sign3A_4 = arith.extui %sign3A_3 : i1 to i32
    %sign3A_5 = arith.constant 0 : i32
    %sign3A_6 = arith.cmpi slt, %add3A, %sign3A_5 : i32
    %sign3A_7 = arith.extui %sign3A_6 : i1 to i32
    %sign3A_8 = arith.subi %sign3A_4, %sign3A_7 : i32
    %sign3A_9 = arith.constant 0 : i32
    %sign3A_10 = arith.cmpi sgt, %jit3A, %sign3A_9 : i32
    %sign3A_11 = arith.extui %sign3A_10 : i1 to i32
    %sign3A_12 = arith.constant 0 : i32
    %sign3A_13 = arith.cmpi slt, %jit3A, %sign3A_12 : i32
    %sign3A_14 = arith.extui %sign3A_13 : i1 to i32
    %sign3A_15 = arith.subi %sign3A_11, %sign3A_14 : i32
    %ne3A = arith.cmpi ne, %sign3A_8, %sign3A_15 : i32
    %rem3A = arith.remsi %add3A, %jit3A : i32
    %ne3A_16 = arith.constant 0 : i32
    %ne3A_17 = arith.cmpi ne, %rem3A, %ne3A_16 : i32
    %and3A = arith.andi %ne3A, %ne3A_17 : i1
    %sub3A = arith.constant 1 : i32
    %sub3A_18 = arith.subi %div3A, %sub3A : i32
    %select_n3A = arith.select %and3A, %sub3A_18, %div3A : i32
    %jit3A_19 = arith.constant 2 : i32
    %eq3A = arith.constant 0 : i32
    %eq3A_20 = arith.cmpi eq, %jit3A_19, %eq3A : i32
    %jit3A_21 = arith.constant 1 : i32
    %select_n3A_22 = arith.select %eq3A_20, %jit3A_21, %jit3A_19 : i32
    %rem3A_23 = arith.remsi %add3A, %select_n3A_22 : i32
    %ne3A_24 = arith.constant 0 : i32
    %ne3A_25 = arith.cmpi ne, %rem3A_23, %ne3A_24 : i32
    %lt3A = arith.constant 0 : i32
    %lt3A_26 = arith.cmpi slt, %rem3A_23, %lt3A : i32
    %lt3A_27 = arith.constant 0 : i32
    %lt3A_28 = arith.cmpi slt, %select_n3A_22, %lt3A_27 : i32
    %ne3A_29 = arith.xori %lt3A_26, %lt3A_28 : i1
    %and3A_30 = arith.andi %ne3A_29, %ne3A_25 : i1
    %add3A_31 = arith.addi %rem3A_23, %select_n3A_22 : i32
    %select_n3A_32 = arith.select %and3A_30, %add3A_31, %rem3A_23 : i32
    %dma_start3A = arith.constant 0 : i32
    %dma_start3A_33 = arith.constant 0 : i32
    %dma_start3A_34 = arith.constant 0 : i32
    %dma_start3A_35 = arith.constant 0 : i32
    %dma_start3A_36 = tpu.memref_slice %arg6[%dma_start3A, %dma_start3A_33, %dma_start3A_34, %dma_start3A_35] : memref<2x5x8x128xf32, #tpu.memory_space<vmem>> -> memref<1x5x8x128xf32, #tpu.memory_space<vmem>>
    %dma_start3A_37 = tpu.memref_squeeze %dma_start3A_36 : memref<1x5x8x128xf32, #tpu.memory_space<vmem>> -> memref<5x8x128xf32, #tpu.memory_space<vmem>>
    %dma_start3A_38 = arith.constant 0 : i32
    %dma_start3A_39 = arith.constant 0 : i32
    %dma_start3A_40 = arith.constant 0 : i32
    %dma_start3A_41 = tpu.memref_slice %arg2[%select_n3A, %select_n3A_32, %dma_start3A_38, %dma_start3A_39, %dma_start3A_40] : memref<16x2x1250x8x128xf32, #tpu.memory_space<hbm>> -> memref<1x1x5x8x128xf32, #tpu.memory_space<hbm>>
    %dma_start3A_42 = tpu.memref_squeeze %dma_start3A_41 : memref<1x1x5x8x128xf32, #tpu.memory_space<hbm>> -> memref<5x8x128xf32, #tpu.memory_space<hbm>>
    %dma_start3A_43 = arith.constant 0 : i32
    %dma_start3A_44 = arith.constant 0 : i32
    %dma_start3A_45 = arith.constant 0 : i32
    %dma_start3A_46 = tpu.memref_slice %arg6[%dma_start3A, %dma_start3A_43, %dma_start3A_44, %dma_start3A_45] : memref<2x5x8x128xf32, #tpu.memory_space<vmem>> -> memref<1x5x8x128xf32, #tpu.memory_space<vmem>>
    %dma_start3A_47 = tpu.memref_squeeze %dma_start3A_46 : memref<1x5x8x128xf32, #tpu.memory_space<vmem>> -> memref<5x8x128xf32, #tpu.memory_space<vmem>>
    %dma_start3A_48 = arith.constant 0 : i32
    %dma_start3A_49 = arith.constant 0 : i32
    %dma_start3A_50 = arith.constant 0 : i32
    %dma_start3A_51 = tpu.memref_slice %arg2[%select_n3A, %select_n3A_32, %dma_start3A_48, %dma_start3A_49, %dma_start3A_50] : memref<16x2x1250x8x128xf32, #tpu.memory_space<hbm>> -> memref<1x1x5x8x128xf32, #tpu.memory_space<hbm>>
    %dma_start3A_52 = tpu.memref_squeeze %dma_start3A_51 : memref<1x1x5x8x128xf32, #tpu.memory_space<hbm>> -> memref<5x8x128xf32, #tpu.memory_space<hbm>>
    tpu.enqueue_dma source(%dma_start3A_52 : memref<5x8x128xf32, #tpu.memory_space<hbm>>) target(%dma_start3A_47 : memref<5x8x128xf32, #tpu.memory_space<vmem>>) target_semaphore(%arg10 : memref<!tpu.dma_semaphore, #tpu.memory_space<semaphore_mem>>)
    %dma_start3A_53 = arith.constant 0 : i32
    %dma_start3A_54 = arith.constant 0 : i32
    %dma_start3A_55 = arith.constant 0 : i32
    %dma_start3A_56 = arith.constant 0 : i32
    %dma_start3A_57 = tpu.memref_slice %arg7[%dma_start3A_53, %dma_start3A_54, %dma_start3A_55, %dma_start3A_56] : memref<2x5x8x128xf32, #tpu.memory_space<vmem>> -> memref<1x5x8x128xf32, #tpu.memory_space<vmem>>
    %dma_start3A_58 = tpu.memref_squeeze %dma_start3A_57 : memref<1x5x8x128xf32, #tpu.memory_space<vmem>> -> memref<5x8x128xf32, #tpu.memory_space<vmem>>
    %dma_start3A_59 = arith.constant 0 : i32
    %dma_start3A_60 = arith.constant 0 : i32
    %dma_start3A_61 = arith.constant 0 : i32
    %dma_start3A_62 = tpu.memref_slice %arg3[%select_n3A, %select_n3A_32, %dma_start3A_59, %dma_start3A_60, %dma_start3A_61] : memref<16x2x1250x8x128xf32, #tpu.memory_space<hbm>> -> memref<1x1x5x8x128xf32, #tpu.memory_space<hbm>>
    %dma_start3A_63 = tpu.memref_squeeze %dma_start3A_62 : memref<1x1x5x8x128xf32, #tpu.memory_space<hbm>> -> memref<5x8x128xf32, #tpu.memory_space<hbm>>
    %dma_start3A_64 = arith.constant 0 : i32
    %dma_start3A_65 = arith.constant 0 : i32
    %dma_start3A_66 = arith.constant 0 : i32
    %dma_start3A_67 = tpu.memref_slice %arg7[%dma_start3A_53, %dma_start3A_64, %dma_start3A_65, %dma_start3A_66] : memref<2x5x8x128xf32, #tpu.memory_space<vmem>> -> memref<1x5x8x128xf32, #tpu.memory_space<vmem>>
    %dma_start3A_68 = tpu.memref_squeeze %dma_start3A_67 : memref<1x5x8x128xf32, #tpu.memory_space<vmem>> -> memref<5x8x128xf32, #tpu.memory_space<vmem>>
    %dma_start3A_69 = arith.constant 0 : i32
    %dma_start3A_70 = arith.constant 0 : i32
    %dma_start3A_71 = arith.constant 0 : i32
    %dma_start3A_72 = tpu.memref_slice %arg3[%select_n3A, %select_n3A_32, %dma_start3A_69, %dma_start3A_70, %dma_start3A_71] : memref<16x2x1250x8x128xf32, #tpu.memory_space<hbm>> -> memref<1x1x5x8x128xf32, #tpu.memory_space<hbm>>
    %dma_start3A_73 = tpu.memref_squeeze %dma_start3A_72 : memref<1x1x5x8x128xf32, #tpu.memory_space<hbm>> -> memref<5x8x128xf32, #tpu.memory_space<hbm>>
    tpu.enqueue_dma source(%dma_start3A_73 : memref<5x8x128xf32, #tpu.memory_space<hbm>>) target(%dma_start3A_68 : memref<5x8x128xf32, #tpu.memory_space<vmem>>) target_semaphore(%arg10 : memref<!tpu.dma_semaphore, #tpu.memory_space<semaphore_mem>>)
    %dma_start3A_74 = arith.constant 0 : i32
    %dma_start3A_75 = arith.constant 0 : i32
    %dma_start3A_76 = tpu.memref_slice %arg8[%dma_start3A_74, %dma_start3A_75] : memref<2x640xi32, #tpu.memory_space<vmem>> -> memref<1x640xi32, #tpu.memory_space<vmem>>
    %dma_start3A_77 = tpu.memref_squeeze %dma_start3A_76 : memref<1x640xi32, #tpu.memory_space<vmem>> -> memref<640xi32, #tpu.memory_space<vmem>>
    %dma_start3A_78 = arith.constant 0 : i32
    %dma_start3A_79 = tpu.memref_slice %arg4[%dma_start3A_78] : memref<160000xi32, #tpu.memory_space<hbm>> -> memref<640xi32, #tpu.memory_space<hbm>>
    %dma_start3A_80 = arith.constant 0 : i32
    %dma_start3A_81 = tpu.memref_slice %arg8[%dma_start3A_74, %dma_start3A_80] : memref<2x640xi32, #tpu.memory_space<vmem>> -> memref<1x640xi32, #tpu.memory_space<vmem>>
    %dma_start3A_82 = tpu.memref_squeeze %dma_start3A_81 : memref<1x640xi32, #tpu.memory_space<vmem>> -> memref<640xi32, #tpu.memory_space<vmem>>
    %dma_start3A_83 = arith.constant 0 : i32
    %dma_start3A_84 = tpu.memref_slice %arg4[%dma_start3A_83] : memref<160000xi32, #tpu.memory_space<hbm>> -> memref<640xi32, #tpu.memory_space<hbm>>
    tpu.enqueue_dma source(%dma_start3A_84 : memref<640xi32, #tpu.memory_space<hbm>>) target(%dma_start3A_82 : memref<640xi32, #tpu.memory_space<vmem>>) target_semaphore(%arg10 : memref<!tpu.dma_semaphore, #tpu.memory_space<semaphore_mem>>)
    %dma_start3A_85 = arith.constant 1 : i32
    %dma_start3A_86 = arith.constant 0 : i32
    %dma_start3A_87 = arith.constant 0 : i32
    %dma_start3A_88 = arith.constant 0 : i32
    %dma_start3A_89 = tpu.memref_slice %arg6[%dma_start3A_85, %dma_start3A_86, %dma_start3A_87, %dma_start3A_88] : memref<2x5x8x128xf32, #tpu.memory_space<vmem>> -> memref<1x5x8x128xf32, #tpu.memory_space<vmem>>
    %dma_start3A_90 = tpu.memref_squeeze %dma_start3A_89 : memref<1x5x8x128xf32, #tpu.memory_space<vmem>> -> memref<5x8x128xf32, #tpu.memory_space<vmem>>
    %dma_start3A_91 = arith.constant 5 : i32
    %dma_start3A_92 = arith.constant 0 : i32
    %dma_start3A_93 = arith.constant 0 : i32
    %dma_start3A_94 = tpu.memref_slice %arg2[%select_n3A, %select_n3A_32, %dma_start3A_91, %dma_start3A_92, %dma_start3A_93] : memref<16x2x1250x8x128xf32, #tpu.memory_space<hbm>> -> memref<1x1x5x8x128xf32, #tpu.memory_space<hbm>>
    %dma_start3A_95 = tpu.memref_squeeze %dma_start3A_94 : memref<1x1x5x8x128xf32, #tpu.memory_space<hbm>> -> memref<5x8x128xf32, #tpu.memory_space<hbm>>
    %dma_start3A_96 = arith.constant 0 : i32
    %dma_start3A_97 = arith.constant 0 : i32
    %dma_start3A_98 = arith.constant 0 : i32
    %dma_start3A_99 = tpu.memref_slice %arg6[%dma_start3A_85, %dma_start3A_96, %dma_start3A_97, %dma_start3A_98] : memref<2x5x8x128xf32, #tpu.memory_space<vmem>> -> memref<1x5x8x128xf32, #tpu.memory_space<vmem>>
    %dma_start3A_100 = tpu.memref_squeeze %dma_start3A_99 : memref<1x5x8x128xf32, #tpu.memory_space<vmem>> -> memref<5x8x128xf32, #tpu.memory_space<vmem>>
    %dma_start3A_101 = arith.constant 5 : i32
    %dma_start3A_102 = arith.constant 0 : i32
    %dma_start3A_103 = arith.constant 0 : i32
    %dma_start3A_104 = tpu.memref_slice %arg2[%select_n3A, %select_n3A_32, %dma_start3A_101, %dma_start3A_102, %dma_start3A_103] : memref<16x2x1250x8x128xf32, #tpu.memory_space<hbm>> -> memref<1x1x5x8x128xf32, #tpu.memory_space<hbm>>
    %dma_start3A_105 = tpu.memref_squeeze %dma_start3A_104 : memref<1x1x5x8x128xf32, #tpu.memory_space<hbm>> -> memref<5x8x128xf32, #tpu.memory_space<hbm>>
    tpu.enqueue_dma source(%dma_start3A_105 : memref<5x8x128xf32, #tpu.memory_space<hbm>>) target(%dma_start3A_100 : memref<5x8x128xf32, #tpu.memory_space<vmem>>) target_semaphore(%arg11 : memref<!tpu.dma_semaphore, #tpu.memory_space<semaphore_mem>>)
    %dma_start3A_106 = arith.constant 1 : i32
    %dma_start3A_107 = arith.constant 0 : i32
    %dma_start3A_108 = arith.constant 0 : i32
    %dma_start3A_109 = arith.constant 0 : i32
    %dma_start3A_110 = tpu.memref_slice %arg7[%dma_start3A_106, %dma_start3A_107, %dma_start3A_108, %dma_start3A_109] : memref<2x5x8x128xf32, #tpu.memory_space<vmem>> -> memref<1x5x8x128xf32, #tpu.memory_space<vmem>>
    %dma_start3A_111 = tpu.memref_squeeze %dma_start3A_110 : memref<1x5x8x128xf32, #tpu.memory_space<vmem>> -> memref<5x8x128xf32, #tpu.memory_space<vmem>>
    %dma_start3A_112 = arith.constant 5 : i32
    %dma_start3A_113 = arith.constant 0 : i32
    %dma_start3A_114 = arith.constant 0 : i32
    %dma_start3A_115 = tpu.memref_slice %arg3[%select_n3A, %select_n3A_32, %dma_start3A_112, %dma_start3A_113, %dma_start3A_114] : memref<16x2x1250x8x128xf32, #tpu.memory_space<hbm>> -> memref<1x1x5x8x128xf32, #tpu.memory_space<hbm>>
    %dma_start3A_116 = tpu.memref_squeeze %dma_start3A_115 : memref<1x1x5x8x128xf32, #tpu.memory_space<hbm>> -> memref<5x8x128xf32, #tpu.memory_space<hbm>>
    %dma_start3A_117 = arith.constant 0 : i32
    %dma_start3A_118 = arith.constant 0 : i32
    %dma_start3A_119 = arith.constant 0 : i32
    %dma_start3A_120 = tpu.memref_slice %arg7[%dma_start3A_106, %dma_start3A_117, %dma_start3A_118, %dma_start3A_119] : memref<2x5x8x128xf32, #tpu.memory_space<vmem>> -> memref<1x5x8x128xf32, #tpu.memory_space<vmem>>
    %dma_start3A_121 = tpu.memref_squeeze %dma_start3A_120 : memref<1x5x8x128xf32, #tpu.memory_space<vmem>> -> memref<5x8x128xf32, #tpu.memory_space<vmem>>
    %dma_start3A_122 = arith.constant 5 : i32
    %dma_start3A_123 = arith.constant 0 : i32
    %dma_start3A_124 = arith.constant 0 : i32
    %dma_start3A_125 = tpu.memref_slice %arg3[%select_n3A, %select_n3A_32, %dma_start3A_122, %dma_start3A_123, %dma_start3A_124] : memref<16x2x1250x8x128xf32, #tpu.memory_space<hbm>> -> memref<1x1x5x8x128xf32, #tpu.memory_space<hbm>>
    %dma_start3A_126 = tpu.memref_squeeze %dma_start3A_125 : memref<1x1x5x8x128xf32, #tpu.memory_space<hbm>> -> memref<5x8x128xf32, #tpu.memory_space<hbm>>
    tpu.enqueue_dma source(%dma_start3A_126 : memref<5x8x128xf32, #tpu.memory_space<hbm>>) target(%dma_start3A_121 : memref<5x8x128xf32, #tpu.memory_space<vmem>>) target_semaphore(%arg11 : memref<!tpu.dma_semaphore, #tpu.memory_space<semaphore_mem>>)
    %dma_start3A_127 = arith.constant 1 : i32
    %dma_start3A_128 = arith.constant 0 : i32
    %dma_start3A_129 = tpu.memref_slice %arg8[%dma_start3A_127, %dma_start3A_128] : memref<2x640xi32, #tpu.memory_space<vmem>> -> memref<1x640xi32, #tpu.memory_space<vmem>>
    %dma_start3A_130 = tpu.memref_squeeze %dma_start3A_129 : memref<1x640xi32, #tpu.memory_space<vmem>> -> memref<640xi32, #tpu.memory_space<vmem>>
    %dma_start3A_131 = arith.constant 640 : i32
    %dma_start3A_132 = tpu.memref_slice %arg4[%dma_start3A_131] : memref<160000xi32, #tpu.memory_space<hbm>> -> memref<640xi32, #tpu.memory_space<hbm>>
    %dma_start3A_133 = arith.constant 0 : i32
    %dma_start3A_134 = tpu.memref_slice %arg8[%dma_start3A_127, %dma_start3A_133] : memref<2x640xi32, #tpu.memory_space<vmem>> -> memref<1x640xi32, #tpu.memory_space<vmem>>
    %dma_start3A_135 = tpu.memref_squeeze %dma_start3A_134 : memref<1x640xi32, #tpu.memory_space<vmem>> -> memref<640xi32, #tpu.memory_space<vmem>>
    %dma_start3A_136 = arith.constant 640 : i32
    %dma_start3A_137 = tpu.memref_slice %arg4[%dma_start3A_136] : memref<160000xi32, #tpu.memory_space<hbm>> -> memref<640xi32, #tpu.memory_space<hbm>>
    tpu.enqueue_dma source(%dma_start3A_137 : memref<640xi32, #tpu.memory_space<hbm>>) target(%dma_start3A_135 : memref<640xi32, #tpu.memory_space<vmem>>) target_semaphore(%arg11 : memref<!tpu.dma_semaphore, #tpu.memory_space<semaphore_mem>>)
    %broadcast_in_dim3A = arith.constant 0.000000e+00 : f32
    %broadcast_in_dim3A_138 = vector.broadcast %broadcast_in_dim3A : f32 to vector<16xf32>
    %scan3A = arith.constant 0 : i32
    %scan3A_139 = arith.constant 0 : i32
    %scan3A_140 = arith.constant 625 : i32
    %scan3A_141 = arith.addi %scan3A_139, %scan3A_140 : i32
    %scan3A_142 = arith.constant 1 : i32
    %scan3A_143 = scf.for %scan3A_152 = %scan3A_139 to %scan3A_141 step %scan3A_142 iter_args(%scan3A_153 = %scan3A) -> (i32)  : i32 {
      %mul3A_154 = arith.constant 16 : i32
      %mul3A_155 = arith.muli %scan3A_152, %mul3A_154 : i32
      %swap3A = arith.constant 0 : i32
      %swap3A_156 = arith.index_cast %swap3A : i32 to index
      %swap3A_157 = arith.index_cast %mul3A_155 : i32 to index
      %swap3A_158 = tpu.vector_load %arg9[%swap3A_156, %swap3A_157] {strides = array<i32>} : memref<8x10000xf32, #tpu.memory_space<vmem>>, vector<16xf32>,
      tpu.vector_store %arg9[%swap3A_156, %swap3A_157], %broadcast_in_dim3A_138 {strides = array<i32>} : memref<8x10000xf32, #tpu.memory_space<vmem>>, vector<16xf32>,
      %mul3A_159 = arith.constant 16 : i32
      %mul3A_160 = arith.muli %scan3A_152, %mul3A_159 : i32
      %swap3A_161 = arith.constant 1 : i32
      %swap3A_162 = arith.index_cast %swap3A_161 : i32 to index
      %swap3A_163 = arith.index_cast %mul3A_160 : i32 to index
      %swap3A_164 = tpu.vector_load %arg9[%swap3A_162, %swap3A_163] {strides = array<i32>} : memref<8x10000xf32, #tpu.memory_space<vmem>>, vector<16xf32>,
      tpu.vector_store %arg9[%swap3A_162, %swap3A_163], %broadcast_in_dim3A_138 {strides = array<i32>} : memref<8x10000xf32, #tpu.memory_space<vmem>>, vector<16xf32>,
      %mul3A_165 = arith.constant 16 : i32
      %mul3A_166 = arith.muli %scan3A_152, %mul3A_165 : i32
      %swap3A_167 = arith.constant 2 : i32
      %swap3A_168 = arith.index_cast %swap3A_167 : i32 to index
      %swap3A_169 = arith.index_cast %mul3A_166 : i32 to index
      %swap3A_170 = tpu.vector_load %arg9[%swap3A_168, %swap3A_169] {strides = array<i32>} : memref<8x10000xf32, #tpu.memory_space<vmem>>, vector<16xf32>,
      tpu.vector_store %arg9[%swap3A_168, %swap3A_169], %broadcast_in_dim3A_138 {strides = array<i32>} : memref<8x10000xf32, #tpu.memory_space<vmem>>, vector<16xf32>,
      %mul3A_171 = arith.constant 16 : i32
      %mul3A_172 = arith.muli %scan3A_152, %mul3A_171 : i32
      %swap3A_173 = arith.constant 3 : i32
      %swap3A_174 = arith.index_cast %swap3A_173 : i32 to index
      %swap3A_175 = arith.index_cast %mul3A_172 : i32 to index
      %swap3A_176 = tpu.vector_load %arg9[%swap3A_174, %swap3A_175] {strides = array<i32>} : memref<8x10000xf32, #tpu.memory_space<vmem>>, vector<16xf32>,
      tpu.vector_store %arg9[%swap3A_174, %swap3A_175], %broadcast_in_dim3A_138 {strides = array<i32>} : memref<8x10000xf32, #tpu.memory_space<vmem>>, vector<16xf32>,
      %mul3A_177 = arith.constant 16 : i32
      %mul3A_178 = arith.muli %scan3A_152, %mul3A_177 : i32
      %swap3A_179 = arith.constant 4 : i32
      %swap3A_180 = arith.index_cast %swap3A_179 : i32 to index
      %swap3A_181 = arith.index_cast %mul3A_178 : i32 to index
      %swap3A_182 = tpu.vector_load %arg9[%swap3A_180, %swap3A_181] {strides = array<i32>} : memref<8x10000xf32, #tpu.memory_space<vmem>>, vector<16xf32>,
      tpu.vector_store %arg9[%swap3A_180, %swap3A_181], %broadcast_in_dim3A_138 {strides = array<i32>} : memref<8x10000xf32, #tpu.memory_space<vmem>>, vector<16xf32>,
      %mul3A_183 = arith.constant 16 : i32
      %mul3A_184 = arith.muli %scan3A_152, %mul3A_183 : i32
      %swap3A_185 = arith.constant 5 : i32
      %swap3A_186 = arith.index_cast %swap3A_185 : i32 to index
      %swap3A_187 = arith.index_cast %mul3A_184 : i32 to index
      %swap3A_188 = tpu.vector_load %arg9[%swap3A_186, %swap3A_187] {strides = array<i32>} : memref<8x10000xf32, #tpu.memory_space<vmem>>, vector<16xf32>,
      tpu.vector_store %arg9[%swap3A_186, %swap3A_187], %broadcast_in_dim3A_138 {strides = array<i32>} : memref<8x10000xf32, #tpu.memory_space<vmem>>, vector<16xf32>,
      %mul3A_189 = arith.constant 16 : i32
      %mul3A_190 = arith.muli %scan3A_152, %mul3A_189 : i32
      %swap3A_191 = arith.constant 6 : i32
      %swap3A_192 = arith.index_cast %swap3A_191 : i32 to index
      %swap3A_193 = arith.index_cast %mul3A_190 : i32 to index
      %swap3A_194 = tpu.vector_load %arg9[%swap3A_192, %swap3A_193] {strides = array<i32>} : memref<8x10000xf32, #tpu.memory_space<vmem>>, vector<16xf32>,
      tpu.vector_store %arg9[%swap3A_192, %swap3A_193], %broadcast_in_dim3A_138 {strides = array<i32>} : memref<8x10000xf32, #tpu.memory_space<vmem>>, vector<16xf32>,
      %mul3A_195 = arith.constant 16 : i32
      %mul3A_196 = arith.muli %scan3A_152, %mul3A_195 : i32
      %swap3A_197 = arith.constant 7 : i32
      %swap3A_198 = arith.index_cast %swap3A_197 : i32 to index
      %swap3A_199 = arith.index_cast %mul3A_196 : i32 to index
      %swap3A_200 = tpu.vector_load %arg9[%swap3A_198, %swap3A_199] {strides = array<i32>} : memref<8x10000xf32, #tpu.memory_space<vmem>>, vector<16xf32>,
      tpu.vector_store %arg9[%swap3A_198, %swap3A_199], %broadcast_in_dim3A_138 {strides = array<i32>} : memref<8x10000xf32, #tpu.memory_space<vmem>>, vector<16xf32>,
      %scan3A_201 = arith.constant 0 : i32
      scf.yield %scan3A_201 : i32
    }
    %scan3A_144 = arith.constant 625 : i32
    %scan3A_145 = arith.constant 0 : i32
    %scan3A_146 = arith.constant 0 : i32
    %scan3A_147 = arith.constant 125 : i32
    %scan3A_148 = arith.addi %scan3A_146, %scan3A_147 : i32
    %scan3A_149 = arith.constant 1 : i32
    %scan3A_150 = scf.for %scan3A_152 = %scan3A_146 to %scan3A_148 step %scan3A_149 iter_args(%scan3A_153 = %scan3A_145) -> (i32)  : i32 {
      %mul3A_154 = arith.constant 2 : i32
      %mul3A_155 = arith.muli %scan3A_152, %mul3A_154 : i32
      %add3A_156 = arith.constant 0 : i32
      %add3A_157 = arith.addi %mul3A_155, %add3A_156 : i32
      %mul3A_158 = arith.constant 5 : i32
      %mul3A_159 = arith.muli %add3A_157, %mul3A_158 : i32
      %mul3A_160 = arith.constant 5 : i32
      %mul3A_161 = arith.muli %add3A_157, %mul3A_160 : i32
      %mul3A_162 = arith.constant 640 : i32
      %mul3A_163 = arith.muli %add3A_157, %mul3A_162 : i32
      %dma_wait3A = arith.constant 0 : i32
      %dma_wait3A_164 = arith.constant 0 : i32
      %dma_wait3A_165 = arith.constant 0 : i32
      %dma_wait3A_166 = arith.constant 0 : i32
      %dma_wait3A_167 = tpu.memref_slice %arg6[%dma_wait3A, %dma_wait3A_164, %dma_wait3A_165, %dma_wait3A_166] : memref<2x5x8x128xf32, #tpu.memory_space<vmem>> -> memref<1x5x8x128xf32, #tpu.memory_space<vmem>>
      %dma_wait3A_168 = tpu.memref_squeeze %dma_wait3A_167 : memref<1x5x8x128xf32, #tpu.memory_space<vmem>> -> memref<5x8x128xf32, #tpu.memory_space<vmem>>
      %dma_wait3A_169 = arith.constant 0 : i32
      %dma_wait3A_170 = arith.constant 0 : i32
      %dma_wait3A_171 = tpu.memref_slice %arg2[%select_n3A, %select_n3A_32, %mul3A_159, %dma_wait3A_169, %dma_wait3A_170] : memref<16x2x1250x8x128xf32, #tpu.memory_space<hbm>> -> memref<1x1x5x8x128xf32, #tpu.memory_space<hbm>>
      %dma_wait3A_172 = tpu.memref_squeeze %dma_wait3A_171 : memref<1x1x5x8x128xf32, #tpu.memory_space<hbm>> -> memref<5x8x128xf32, #tpu.memory_space<hbm>>
      %dma_wait3A_173 = arith.constant 0 : i32
      %dma_wait3A_174 = arith.constant 0 : i32
      %dma_wait3A_175 = arith.constant 0 : i32
      %dma_wait3A_176 = tpu.memref_slice %arg6[%dma_wait3A, %dma_wait3A_173, %dma_wait3A_174, %dma_wait3A_175] : memref<2x5x8x128xf32, #tpu.memory_space<vmem>> -> memref<1x5x8x128xf32, #tpu.memory_space<vmem>>
      %dma_wait3A_177 = tpu.memref_squeeze %dma_wait3A_176 : memref<1x5x8x128xf32, #tpu.memory_space<vmem>> -> memref<5x8x128xf32, #tpu.memory_space<vmem>>
      %dma_wait3A_178 = arith.constant 0 : i32
      %dma_wait3A_179 = arith.constant 0 : i32
      %dma_wait3A_180 = tpu.memref_slice %arg2[%select_n3A, %select_n3A_32, %mul3A_159, %dma_wait3A_178, %dma_wait3A_179] : memref<16x2x1250x8x128xf32, #tpu.memory_space<hbm>> -> memref<1x1x5x8x128xf32, #tpu.memory_space<hbm>>
      %dma_wait3A_181 = tpu.memref_squeeze %dma_wait3A_180 : memref<1x1x5x8x128xf32, #tpu.memory_space<hbm>> -> memref<5x8x128xf32, #tpu.memory_space<hbm>>
      tpu.wait_dma2 semaphore(%arg10 : memref<!tpu.dma_semaphore, #tpu.memory_space<semaphore_mem>>) src(%dma_wait3A_181 : memref<5x8x128xf32, #tpu.memory_space<hbm>>) dst(%dma_wait3A_177 : memref<5x8x128xf32, #tpu.memory_space<vmem>>)
      %dma_wait3A_182 = arith.constant 0 : i32
      %dma_wait3A_183 = arith.constant 0 : i32
      %dma_wait3A_184 = arith.constant 0 : i32
      %dma_wait3A_185 = arith.constant 0 : i32
      %dma_wait3A_186 = tpu.memref_slice %arg7[%dma_wait3A_182, %dma_wait3A_183, %dma_wait3A_184, %dma_wait3A_185] : memref<2x5x8x128xf32, #tpu.memory_space<vmem>> -> memref<1x5x8x128xf32, #tpu.memory_space<vmem>>
      %dma_wait3A_187 = tpu.memref_squeeze %dma_wait3A_186 : memref<1x5x8x128xf32, #tpu.memory_space<vmem>> -> memref<5x8x128xf32, #tpu.memory_space<vmem>>
      %dma_wait3A_188 = arith.constant 0 : i32
      %dma_wait3A_189 = arith.constant 0 : i32
      %dma_wait3A_190 = tpu.memref_slice %arg3[%select_n3A, %select_n3A_32, %mul3A_161, %dma_wait3A_188, %dma_wait3A_189] : memref<16x2x1250x8x128xf32, #tpu.memory_space<hbm>> -> memref<1x1x5x8x128xf32, #tpu.memory_space<hbm>>
      %dma_wait3A_191 = tpu.memref_squeeze %dma_wait3A_190 : memref<1x1x5x8x128xf32, #tpu.memory_space<hbm>> -> memref<5x8x128xf32, #tpu.memory_space<hbm>>
      %dma_wait3A_192 = arith.constant 0 : i32
      %dma_wait3A_193 = arith.constant 0 : i32
      %dma_wait3A_194 = arith.constant 0 : i32
      %dma_wait3A_195 = tpu.memref_slice %arg7[%dma_wait3A_182, %dma_wait3A_192, %dma_wait3A_193, %dma_wait3A_194] : memref<2x5x8x128xf32, #tpu.memory_space<vmem>> -> memref<1x5x8x128xf32, #tpu.memory_space<vmem>>
      %dma_wait3A_196 = tpu.memref_squeeze %dma_wait3A_195 : memref<1x5x8x128xf32, #tpu.memory_space<vmem>> -> memref<5x8x128xf32, #tpu.memory_space<vmem>>
      %dma_wait3A_197 = arith.constant 0 : i32
      %dma_wait3A_198 = arith.constant 0 : i32
      %dma_wait3A_199 = tpu.memref_slice %arg3[%select_n3A, %select_n3A_32, %mul3A_161, %dma_wait3A_197, %dma_wait3A_198] : memref<16x2x1250x8x128xf32, #tpu.memory_space<hbm>> -> memref<1x1x5x8x128xf32, #tpu.memory_space<hbm>>
      %dma_wait3A_200 = tpu.memref_squeeze %dma_wait3A_199 : memref<1x1x5x8x128xf32, #tpu.memory_space<hbm>> -> memref<5x8x128xf32, #tpu.memory_space<hbm>>
      tpu.wait_dma2 semaphore(%arg10 : memref<!tpu.dma_semaphore, #tpu.memory_space<semaphore_mem>>) src(%dma_wait3A_200 : memref<5x8x128xf32, #tpu.memory_space<hbm>>) dst(%dma_wait3A_196 : memref<5x8x128xf32, #tpu.memory_space<vmem>>)
      %dma_wait3A_201 = arith.constant 0 : i32
      %dma_wait3A_202 = arith.constant 0 : i32
      %dma_wait3A_203 = tpu.memref_slice %arg8[%dma_wait3A_201, %dma_wait3A_202] : memref<2x640xi32, #tpu.memory_space<vmem>> -> memref<1x640xi32, #tpu.memory_space<vmem>>
      %dma_wait3A_204 = tpu.memref_squeeze %dma_wait3A_203 : memref<1x640xi32, #tpu.memory_space<vmem>> -> memref<640xi32, #tpu.memory_space<vmem>>
      %dma_wait3A_205 = tpu.memref_slice %arg4[%mul3A_163] : memref<160000xi32, #tpu.memory_space<hbm>> -> memref<640xi32, #tpu.memory_space<hbm>>
      %dma_wait3A_206 = arith.constant 0 : i32
      %dma_wait3A_207 = tpu.memref_slice %arg8[%dma_wait3A_201, %dma_wait3A_206] : memref<2x640xi32, #tpu.memory_space<vmem>> -> memref<1x640xi32, #tpu.memory_space<vmem>>
      %dma_wait3A_208 = tpu.memref_squeeze %dma_wait3A_207 : memref<1x640xi32, #tpu.memory_space<vmem>> -> memref<640xi32, #tpu.memory_space<vmem>>
      %dma_wait3A_209 = tpu.memref_slice %arg4[%mul3A_163] : memref<160000xi32, #tpu.memory_space<hbm>> -> memref<640xi32, #tpu.memory_space<hbm>>
      tpu.wait_dma2 semaphore(%arg10 : memref<!tpu.dma_semaphore, #tpu.memory_space<semaphore_mem>>) src(%dma_wait3A_209 : memref<640xi32, #tpu.memory_space<hbm>>) dst(%dma_wait3A_208 : memref<640xi32, #tpu.memory_space<vmem>>)
      %parallel_loop3A = arith.constant 0 : i32
      %parallel_loop3A_210 = arith.constant 40 : i32
      %parallel_loop3A_211 = arith.constant 1 : i32
      scf.for %parallel_loop3A_285 = %parallel_loop3A to %parallel_loop3A_210 step %parallel_loop3A_211  : i32 {
        %parallel_loop3A_286 = arith.constant 8 : i32
        %parallel_loop3A_287 = arith.divsi %parallel_loop3A_285, %parallel_loop3A_286 : i32
        %parallel_loop3A_288 = arith.constant 0 : i32
        %parallel_loop3A_289 = arith.cmpi sgt, %parallel_loop3A_285, %parallel_loop3A_288 : i32
        %parallel_loop3A_290 = arith.extui %parallel_loop3A_289 : i1 to i32
        %parallel_loop3A_291 = arith.constant 0 : i32
        %parallel_loop3A_292 = arith.cmpi slt, %parallel_loop3A_285, %parallel_loop3A_291 : i32
        %parallel_loop3A_293 = arith.extui %parallel_loop3A_292 : i1 to i32
        %parallel_loop3A_294 = arith.subi %parallel_loop3A_290, %parallel_loop3A_293 : i32
        %parallel_loop3A_295 = arith.constant 0 : i32
        %parallel_loop3A_296 = arith.cmpi sgt, %parallel_loop3A_286, %parallel_loop3A_295 : i32
        %parallel_loop3A_297 = arith.extui %parallel_loop3A_296 : i1 to i32
        %parallel_loop3A_298 = arith.constant 0 : i32
        %parallel_loop3A_299 = arith.cmpi slt, %parallel_loop3A_286, %parallel_loop3A_298 : i32
        %parallel_loop3A_300 = arith.extui %parallel_loop3A_299 : i1 to i32
        %parallel_loop3A_301 = arith.subi %parallel_loop3A_297, %parallel_loop3A_300 : i32
        %parallel_loop3A_302 = arith.cmpi ne, %parallel_loop3A_294, %parallel_loop3A_301 : i32
        %parallel_loop3A_303 = arith.remsi %parallel_loop3A_285, %parallel_loop3A_286 : i32
        %parallel_loop3A_304 = arith.constant 0 : i32
        %parallel_loop3A_305 = arith.cmpi ne, %parallel_loop3A_303, %parallel_loop3A_304 : i32
        %parallel_loop3A_306 = arith.andi %parallel_loop3A_302, %parallel_loop3A_305 : i1
        %parallel_loop3A_307 = arith.constant 1 : i32
        %parallel_loop3A_308 = arith.subi %parallel_loop3A_287, %parallel_loop3A_307 : i32
        %parallel_loop3A_309 = arith.select %parallel_loop3A_306, %parallel_loop3A_308, %parallel_loop3A_287 : i32
        %parallel_loop3A_310 = arith.constant 8 : i32
        %parallel_loop3A_311 = arith.constant 0 : i32
        %parallel_loop3A_312 = arith.cmpi eq, %parallel_loop3A_310, %parallel_loop3A_311 : i32
        %parallel_loop3A_313 = arith.constant 1 : i32
        %parallel_loop3A_314 = arith.select %parallel_loop3A_312, %parallel_loop3A_313, %parallel_loop3A_310 : i32
        %parallel_loop3A_315 = arith.remsi %parallel_loop3A_285, %parallel_loop3A_314 : i32
        %parallel_loop3A_316 = arith.constant 0 : i32
        %parallel_loop3A_317 = arith.cmpi ne, %parallel_loop3A_315, %parallel_loop3A_316 : i32
        %parallel_loop3A_318 = arith.constant 0 : i32
        %parallel_loop3A_319 = arith.cmpi slt, %parallel_loop3A_315, %parallel_loop3A_318 : i32
        %parallel_loop3A_320 = arith.constant 0 : i32
        %parallel_loop3A_321 = arith.cmpi slt, %parallel_loop3A_314, %parallel_loop3A_320 : i32
        %parallel_loop3A_322 = arith.xori %parallel_loop3A_319, %parallel_loop3A_321 : i1
        %parallel_loop3A_323 = arith.andi %parallel_loop3A_322, %parallel_loop3A_317 : i1
        %parallel_loop3A_324 = arith.addi %parallel_loop3A_315, %parallel_loop3A_314 : i32
        %parallel_loop3A_325 = arith.select %parallel_loop3A_323, %parallel_loop3A_324, %parallel_loop3A_315 : i32
        %parallel_loop3A_326 = arith.constant 16 : i32
        %parallel_loop3A_327 = arith.muli %parallel_loop3A_285, %parallel_loop3A_326 : i32
        %parallel_loop3A_328 = arith.constant 0 : i32
        %parallel_loop3A_329 = arith.index_cast %parallel_loop3A_328 : i32 to index
        %parallel_loop3A_330 = arith.index_cast %parallel_loop3A_327 : i32 to index
        %parallel_loop3A_331 = tpu.vector_load %arg8[%parallel_loop3A_329, %parallel_loop3A_330] {strides = array<i32>} : memref<2x640xi32, #tpu.memory_space<vmem>>, vector<16xi32>,
        %parallel_loop3A_332 = arith.constant 16 : i32
        %parallel_loop3A_333 = arith.muli %parallel_loop3A_325, %parallel_loop3A_332 : i32
        %parallel_loop3A_334 = arith.constant 0 : i32
        %parallel_loop3A_335 = arith.constant 0 : i32
        %parallel_loop3A_336 = arith.index_cast %parallel_loop3A_334 : i32 to index
        %parallel_loop3A_337 = arith.index_cast %parallel_loop3A_309 : i32 to index
        %parallel_loop3A_338 = arith.index_cast %parallel_loop3A_335 : i32 to index
        %parallel_loop3A_339 = arith.index_cast %parallel_loop3A_333 : i32 to index
        %parallel_loop3A_340 = tpu.vector_load %arg6[%parallel_loop3A_336, %parallel_loop3A_337, %parallel_loop3A_338, %parallel_loop3A_339] {strides = array<i32>} : memref<2x5x8x128xf32, #tpu.memory_space<vmem>>, vector<16xf32>,
        %parallel_loop3A_341 = arith.constant 0 : i32
        %parallel_loop3A_342 = arith.constant 0 : i32
        %parallel_loop3A_343 = arith.index_cast %parallel_loop3A_341 : i32 to index
        %parallel_loop3A_344 = arith.index_cast %parallel_loop3A_309 : i32 to index
        %parallel_loop3A_345 = arith.index_cast %parallel_loop3A_342 : i32 to index
        %parallel_loop3A_346 = arith.index_cast %parallel_loop3A_333 : i32 to index
        %parallel_loop3A_347 = tpu.vector_load %arg7[%parallel_loop3A_343, %parallel_loop3A_344, %parallel_loop3A_345, %parallel_loop3A_346] {strides = array<i32>} : memref<2x5x8x128xf32, #tpu.memory_space<vmem>>, vector<16xf32>,
        %parallel_loop3A_348 = arith.mulf %parallel_loop3A_340, %parallel_loop3A_347 : vector<16xf32>
        %parallel_loop3A_349 = arith.constant 0 : i32
        %parallel_loop3A_350 = arith.constant 0 : i32
        %parallel_loop3A_351 = tpu.memref_slice %arg9[%parallel_loop3A_349, %parallel_loop3A_350] : memref<8x10000xf32, #tpu.memory_space<vmem>> -> memref<1x10000xf32, #tpu.memory_space<vmem>>
        %parallel_loop3A_352 = tpu.memref_squeeze %parallel_loop3A_351 : memref<1x10000xf32, #tpu.memory_space<vmem>> -> memref<10000xf32, #tpu.memory_space<vmem>>
        tpu.vector_store_idx %parallel_loop3A_352[%parallel_loop3A_331], %parallel_loop3A_348 {add = true} : memref<10000xf32, #tpu.memory_space<vmem>>[vector<16xi32>], vector<16xf32>,
        %parallel_loop3A_353 = arith.constant 0 : i32
        %parallel_loop3A_354 = arith.constant 1 : i32
        %parallel_loop3A_355 = arith.index_cast %parallel_loop3A_353 : i32 to index
        %parallel_loop3A_356 = arith.index_cast %parallel_loop3A_309 : i32 to index
        %parallel_loop3A_357 = arith.index_cast %parallel_loop3A_354 : i32 to index
        %parallel_loop3A_358 = arith.index_cast %parallel_loop3A_333 : i32 to index
        %parallel_loop3A_359 = tpu.vector_load %arg6[%parallel_loop3A_355, %parallel_loop3A_356, %parallel_loop3A_357, %parallel_loop3A_358] {strides = array<i32>} : memref<2x5x8x128xf32, #tpu.memory_space<vmem>>, vector<16xf32>,
        %parallel_loop3A_360 = arith.constant 0 : i32
        %parallel_loop3A_361 = arith.constant 1 : i32
        %parallel_loop3A_362 = arith.index_cast %parallel_loop3A_360 : i32 to index
        %parallel_loop3A_363 = arith.index_cast %parallel_loop3A_309 : i32 to index
        %parallel_loop3A_364 = arith.index_cast %parallel_loop3A_361 : i32 to index
        %parallel_loop3A_365 = arith.index_cast %parallel_loop3A_333 : i32 to index
        %parallel_loop3A_366 = tpu.vector_load %arg7[%parallel_loop3A_362, %parallel_loop3A_363, %parallel_loop3A_364, %parallel_loop3A_365] {strides = array<i32>} : memref<2x5x8x128xf32, #tpu.memory_space<vmem>>, vector<16xf32>,
        %parallel_loop3A_367 = arith.mulf %parallel_loop3A_359, %parallel_loop3A_366 : vector<16xf32>
        %parallel_loop3A_368 = arith.constant 1 : i32
        %parallel_loop3A_369 = arith.constant 0 : i32
        %parallel_loop3A_370 = tpu.memref_slice %arg9[%parallel_loop3A_368, %parallel_loop3A_369] : memref<8x10000xf32, #tpu.memory_space<vmem>> -> memref<1x10000xf32, #tpu.memory_space<vmem>>
        %parallel_loop3A_371 = tpu.memref_squeeze %parallel_loop3A_370 : memref<1x10000xf32, #tpu.memory_space<vmem>> -> memref<10000xf32, #tpu.memory_space<vmem>>
        tpu.vector_store_idx %parallel_loop3A_371[%parallel_loop3A_331], %parallel_loop3A_367 {add = true} : memref<10000xf32, #tpu.memory_space<vmem>>[vector<16xi32>], vector<16xf32>,
        %parallel_loop3A_372 = arith.constant 0 : i32
        %parallel_loop3A_373 = arith.constant 2 : i32
        %parallel_loop3A_374 = arith.index_cast %parallel_loop3A_372 : i32 to index
        %parallel_loop3A_375 = arith.index_cast %parallel_loop3A_309 : i32 to index
        %parallel_loop3A_376 = arith.index_cast %parallel_loop3A_373 : i32 to index
        %parallel_loop3A_377 = arith.index_cast %parallel_loop3A_333 : i32 to index
        %parallel_loop3A_378 = tpu.vector_load %arg6[%parallel_loop3A_374, %parallel_loop3A_375, %parallel_loop3A_376, %parallel_loop3A_377] {strides = array<i32>} : memref<2x5x8x128xf32, #tpu.memory_space<vmem>>, vector<16xf32>,
        %parallel_loop3A_379 = arith.constant 0 : i32
        %parallel_loop3A_380 = arith.constant 2 : i32
        %parallel_loop3A_381 = arith.index_cast %parallel_loop3A_379 : i32 to index
        %parallel_loop3A_382 = arith.index_cast %parallel_loop3A_309 : i32 to index
        %parallel_loop3A_383 = arith.index_cast %parallel_loop3A_380 : i32 to index
        %parallel_loop3A_384 = arith.index_cast %parallel_loop3A_333 : i32 to index
        %parallel_loop3A_385 = tpu.vector_load %arg7[%parallel_loop3A_381, %parallel_loop3A_382, %parallel_loop3A_383, %parallel_loop3A_384] {strides = array<i32>} : memref<2x5x8x128xf32, #tpu.memory_space<vmem>>, vector<16xf32>,
        %parallel_loop3A_386 = arith.mulf %parallel_loop3A_378, %parallel_loop3A_385 : vector<16xf32>
        %parallel_loop3A_387 = arith.constant 2 : i32
        %parallel_loop3A_388 = arith.constant 0 : i32
        %parallel_loop3A_389 = tpu.memref_slice %arg9[%parallel_loop3A_387, %parallel_loop3A_388] : memref<8x10000xf32, #tpu.memory_space<vmem>> -> memref<1x10000xf32, #tpu.memory_space<vmem>>
        %parallel_loop3A_390 = tpu.memref_squeeze %parallel_loop3A_389 : memref<1x10000xf32, #tpu.memory_space<vmem>> -> memref<10000xf32, #tpu.memory_space<vmem>>
        tpu.vector_store_idx %parallel_loop3A_390[%parallel_loop3A_331], %parallel_loop3A_386 {add = true} : memref<10000xf32, #tpu.memory_space<vmem>>[vector<16xi32>], vector<16xf32>,
        %parallel_loop3A_391 = arith.constant 0 : i32
        %parallel_loop3A_392 = arith.constant 3 : i32
        %parallel_loop3A_393 = arith.index_cast %parallel_loop3A_391 : i32 to index
        %parallel_loop3A_394 = arith.index_cast %parallel_loop3A_309 : i32 to index
        %parallel_loop3A_395 = arith.index_cast %parallel_loop3A_392 : i32 to index
        %parallel_loop3A_396 = arith.index_cast %parallel_loop3A_333 : i32 to index
        %parallel_loop3A_397 = tpu.vector_load %arg6[%parallel_loop3A_393, %parallel_loop3A_394, %parallel_loop3A_395, %parallel_loop3A_396] {strides = array<i32>} : memref<2x5x8x128xf32, #tpu.memory_space<vmem>>, vector<16xf32>,
        %parallel_loop3A_398 = arith.constant 0 : i32
        %parallel_loop3A_399 = arith.constant 3 : i32
        %parallel_loop3A_400 = arith.index_cast %parallel_loop3A_398 : i32 to index
        %parallel_loop3A_401 = arith.index_cast %parallel_loop3A_309 : i32 to index
        %parallel_loop3A_402 = arith.index_cast %parallel_loop3A_399 : i32 to index
        %parallel_loop3A_403 = arith.index_cast %parallel_loop3A_333 : i32 to index
        %parallel_loop3A_404 = tpu.vector_load %arg7[%parallel_loop3A_400, %parallel_loop3A_401, %parallel_loop3A_402, %parallel_loop3A_403] {strides = array<i32>} : memref<2x5x8x128xf32, #tpu.memory_space<vmem>>, vector<16xf32>,
        %parallel_loop3A_405 = arith.mulf %parallel_loop3A_397, %parallel_loop3A_404 : vector<16xf32>
        %parallel_loop3A_406 = arith.constant 3 : i32
        %parallel_loop3A_407 = arith.constant 0 : i32
        %parallel_loop3A_408 = tpu.memref_slice %arg9[%parallel_loop3A_406, %parallel_loop3A_407] : memref<8x10000xf32, #tpu.memory_space<vmem>> -> memref<1x10000xf32, #tpu.memory_space<vmem>>
        %parallel_loop3A_409 = tpu.memref_squeeze %parallel_loop3A_408 : memref<1x10000xf32, #tpu.memory_space<vmem>> -> memref<10000xf32, #tpu.memory_space<vmem>>
        tpu.vector_store_idx %parallel_loop3A_409[%parallel_loop3A_331], %parallel_loop3A_405 {add = true} : memref<10000xf32, #tpu.memory_space<vmem>>[vector<16xi32>], vector<16xf32>,
        %parallel_loop3A_410 = arith.constant 0 : i32
        %parallel_loop3A_411 = arith.constant 4 : i32
        %parallel_loop3A_412 = arith.index_cast %parallel_loop3A_410 : i32 to index
        %parallel_loop3A_413 = arith.index_cast %parallel_loop3A_309 : i32 to index
        %parallel_loop3A_414 = arith.index_cast %parallel_loop3A_411 : i32 to index
        %parallel_loop3A_415 = arith.index_cast %parallel_loop3A_333 : i32 to index
        %parallel_loop3A_416 = tpu.vector_load %arg6[%parallel_loop3A_412, %parallel_loop3A_413, %parallel_loop3A_414, %parallel_loop3A_415] {strides = array<i32>} : memref<2x5x8x128xf32, #tpu.memory_space<vmem>>, vector<16xf32>,
        %parallel_loop3A_417 = arith.constant 0 : i32
        %parallel_loop3A_418 = arith.constant 4 : i32
        %parallel_loop3A_419 = arith.index_cast %parallel_loop3A_417 : i32 to index
        %parallel_loop3A_420 = arith.index_cast %parallel_loop3A_309 : i32 to index
        %parallel_loop3A_421 = arith.index_cast %parallel_loop3A_418 : i32 to index
        %parallel_loop3A_422 = arith.index_cast %parallel_loop3A_333 : i32 to index
        %parallel_loop3A_423 = tpu.vector_load %arg7[%parallel_loop3A_419, %parallel_loop3A_420, %parallel_loop3A_421, %parallel_loop3A_422] {strides = array<i32>} : memref<2x5x8x128xf32, #tpu.memory_space<vmem>>, vector<16xf32>,
        %parallel_loop3A_424 = arith.mulf %parallel_loop3A_416, %parallel_loop3A_423 : vector<16xf32>
        %parallel_loop3A_425 = arith.constant 4 : i32
        %parallel_loop3A_426 = arith.constant 0 : i32
        %parallel_loop3A_427 = tpu.memref_slice %arg9[%parallel_loop3A_425, %parallel_loop3A_426] : memref<8x10000xf32, #tpu.memory_space<vmem>> -> memref<1x10000xf32, #tpu.memory_space<vmem>>
        %parallel_loop3A_428 = tpu.memref_squeeze %parallel_loop3A_427 : memref<1x10000xf32, #tpu.memory_space<vmem>> -> memref<10000xf32, #tpu.memory_space<vmem>>
        tpu.vector_store_idx %parallel_loop3A_428[%parallel_loop3A_331], %parallel_loop3A_424 {add = true} : memref<10000xf32, #tpu.memory_space<vmem>>[vector<16xi32>], vector<16xf32>,
        %parallel_loop3A_429 = arith.constant 0 : i32
        %parallel_loop3A_430 = arith.constant 5 : i32
        %parallel_loop3A_431 = arith.index_cast %parallel_loop3A_429 : i32 to index
        %parallel_loop3A_432 = arith.index_cast %parallel_loop3A_309 : i32 to index
        %parallel_loop3A_433 = arith.index_cast %parallel_loop3A_430 : i32 to index
        %parallel_loop3A_434 = arith.index_cast %parallel_loop3A_333 : i32 to index
        %parallel_loop3A_435 = tpu.vector_load %arg6[%parallel_loop3A_431, %parallel_loop3A_432, %parallel_loop3A_433, %parallel_loop3A_434] {strides = array<i32>} : memref<2x5x8x128xf32, #tpu.memory_space<vmem>>, vector<16xf32>,
        %parallel_loop3A_436 = arith.constant 0 : i32
        %parallel_loop3A_437 = arith.constant 5 : i32
        %parallel_loop3A_438 = arith.index_cast %parallel_loop3A_436 : i32 to index
        %parallel_loop3A_439 = arith.index_cast %parallel_loop3A_309 : i32 to index
        %parallel_loop3A_440 = arith.index_cast %parallel_loop3A_437 : i32 to index
        %parallel_loop3A_441 = arith.index_cast %parallel_loop3A_333 : i32 to index
        %parallel_loop3A_442 = tpu.vector_load %arg7[%parallel_loop3A_438, %parallel_loop3A_439, %parallel_loop3A_440, %parallel_loop3A_441] {strides = array<i32>} : memref<2x5x8x128xf32, #tpu.memory_space<vmem>>, vector<16xf32>,
        %parallel_loop3A_443 = arith.mulf %parallel_loop3A_435, %parallel_loop3A_442 : vector<16xf32>
        %parallel_loop3A_444 = arith.constant 5 : i32
        %parallel_loop3A_445 = arith.constant 0 : i32
        %parallel_loop3A_446 = tpu.memref_slice %arg9[%parallel_loop3A_444, %parallel_loop3A_445] : memref<8x10000xf32, #tpu.memory_space<vmem>> -> memref<1x10000xf32, #tpu.memory_space<vmem>>
        %parallel_loop3A_447 = tpu.memref_squeeze %parallel_loop3A_446 : memref<1x10000xf32, #tpu.memory_space<vmem>> -> memref<10000xf32, #tpu.memory_space<vmem>>
        tpu.vector_store_idx %parallel_loop3A_447[%parallel_loop3A_331], %parallel_loop3A_443 {add = true} : memref<10000xf32, #tpu.memory_space<vmem>>[vector<16xi32>], vector<16xf32>,
        %parallel_loop3A_448 = arith.constant 0 : i32
        %parallel_loop3A_449 = arith.constant 6 : i32
        %parallel_loop3A_450 = arith.index_cast %parallel_loop3A_448 : i32 to index
        %parallel_loop3A_451 = arith.index_cast %parallel_loop3A_309 : i32 to index
        %parallel_loop3A_452 = arith.index_cast %parallel_loop3A_449 : i32 to index
        %parallel_loop3A_453 = arith.index_cast %parallel_loop3A_333 : i32 to index
        %parallel_loop3A_454 = tpu.vector_load %arg6[%parallel_loop3A_450, %parallel_loop3A_451, %parallel_loop3A_452, %parallel_loop3A_453] {strides = array<i32>} : memref<2x5x8x128xf32, #tpu.memory_space<vmem>>, vector<16xf32>,
        %parallel_loop3A_455 = arith.constant 0 : i32
        %parallel_loop3A_456 = arith.constant 6 : i32
        %parallel_loop3A_457 = arith.index_cast %parallel_loop3A_455 : i32 to index
        %parallel_loop3A_458 = arith.index_cast %parallel_loop3A_309 : i32 to index
        %parallel_loop3A_459 = arith.index_cast %parallel_loop3A_456 : i32 to index
        %parallel_loop3A_460 = arith.index_cast %parallel_loop3A_333 : i32 to index
        %parallel_loop3A_461 = tpu.vector_load %arg7[%parallel_loop3A_457, %parallel_loop3A_458, %parallel_loop3A_459, %parallel_loop3A_460] {strides = array<i32>} : memref<2x5x8x128xf32, #tpu.memory_space<vmem>>, vector<16xf32>,
        %parallel_loop3A_462 = arith.mulf %parallel_loop3A_454, %parallel_loop3A_461 : vector<16xf32>
        %parallel_loop3A_463 = arith.constant 6 : i32
        %parallel_loop3A_464 = arith.constant 0 : i32
        %parallel_loop3A_465 = tpu.memref_slice %arg9[%parallel_loop3A_463, %parallel_loop3A_464] : memref<8x10000xf32, #tpu.memory_space<vmem>> -> memref<1x10000xf32, #tpu.memory_space<vmem>>
        %parallel_loop3A_466 = tpu.memref_squeeze %parallel_loop3A_465 : memref<1x10000xf32, #tpu.memory_space<vmem>> -> memref<10000xf32, #tpu.memory_space<vmem>>
        tpu.vector_store_idx %parallel_loop3A_466[%parallel_loop3A_331], %parallel_loop3A_462 {add = true} : memref<10000xf32, #tpu.memory_space<vmem>>[vector<16xi32>], vector<16xf32>,
        %parallel_loop3A_467 = arith.constant 0 : i32
        %parallel_loop3A_468 = arith.constant 7 : i32
        %parallel_loop3A_469 = arith.index_cast %parallel_loop3A_467 : i32 to index
        %parallel_loop3A_470 = arith.index_cast %parallel_loop3A_309 : i32 to index
        %parallel_loop3A_471 = arith.index_cast %parallel_loop3A_468 : i32 to index
        %parallel_loop3A_472 = arith.index_cast %parallel_loop3A_333 : i32 to index
        %parallel_loop3A_473 = tpu.vector_load %arg6[%parallel_loop3A_469, %parallel_loop3A_470, %parallel_loop3A_471, %parallel_loop3A_472] {strides = array<i32>} : memref<2x5x8x128xf32, #tpu.memory_space<vmem>>, vector<16xf32>,
        %parallel_loop3A_474 = arith.constant 0 : i32
        %parallel_loop3A_475 = arith.constant 7 : i32
        %parallel_loop3A_476 = arith.index_cast %parallel_loop3A_474 : i32 to index
        %parallel_loop3A_477 = arith.index_cast %parallel_loop3A_309 : i32 to index
        %parallel_loop3A_478 = arith.index_cast %parallel_loop3A_475 : i32 to index
        %parallel_loop3A_479 = arith.index_cast %parallel_loop3A_333 : i32 to index
        %parallel_loop3A_480 = tpu.vector_load %arg7[%parallel_loop3A_476, %parallel_loop3A_477, %parallel_loop3A_478, %parallel_loop3A_479] {strides = array<i32>} : memref<2x5x8x128xf32, #tpu.memory_space<vmem>>, vector<16xf32>,
        %parallel_loop3A_481 = arith.mulf %parallel_loop3A_473, %parallel_loop3A_480 : vector<16xf32>
        %parallel_loop3A_482 = arith.constant 7 : i32
        %parallel_loop3A_483 = arith.constant 0 : i32
        %parallel_loop3A_484 = tpu.memref_slice %arg9[%parallel_loop3A_482, %parallel_loop3A_483] : memref<8x10000xf32, #tpu.memory_space<vmem>> -> memref<1x10000xf32, #tpu.memory_space<vmem>>
        %parallel_loop3A_485 = tpu.memref_squeeze %parallel_loop3A_484 : memref<1x10000xf32, #tpu.memory_space<vmem>> -> memref<10000xf32, #tpu.memory_space<vmem>>
        tpu.vector_store_idx %parallel_loop3A_485[%parallel_loop3A_331], %parallel_loop3A_481 {add = true} : memref<10000xf32, #tpu.memory_space<vmem>>[vector<16xi32>], vector<16xf32>,
      } {sc.loop_unroll_factor = 4 : i64, sc.parallel_access}
      %add3A_212 = arith.constant 2 : i32
      %add3A_213 = arith.addi %add3A_157, %add3A_212 : i32
      %lt3A_214 = arith.constant 250 : i32
      %lt3A_215 = arith.cmpi slt, %add3A_213, %lt3A_214 : i32
      %convert_element_type3A = arith.extui %lt3A_215 : i1 to i32
      %cond3A = arith.constant 0 : i32
      %cond3A_216 = arith.cmpi ne, %convert_element_type3A, %cond3A : i32
      scf.if %cond3A_216 {
        %add3A_285 = arith.constant 2 : i32
        %add3A_286 = arith.addi %add3A_157, %add3A_285 : i32
        %mul3A_287 = arith.constant 5 : i32
        %mul3A_288 = arith.muli %add3A_286, %mul3A_287 : i32
        %mul3A_289 = arith.constant 5 : i32
        %mul3A_290 = arith.muli %add3A_286, %mul3A_289 : i32
        %mul3A_291 = arith.constant 640 : i32
        %mul3A_292 = arith.muli %add3A_286, %mul3A_291 : i32
        %dma_start3A_293 = arith.constant 0 : i32
        %dma_start3A_294 = arith.constant 0 : i32
        %dma_start3A_295 = arith.constant 0 : i32
        %dma_start3A_296 = arith.constant 0 : i32
        %dma_start3A_297 = tpu.memref_slice %arg6[%dma_start3A_293, %dma_start3A_294, %dma_start3A_295, %dma_start3A_296] : memref<2x5x8x128xf32, #tpu.memory_space<vmem>> -> memref<1x5x8x128xf32, #tpu.memory_space<vmem>>
        %dma_start3A_298 = tpu.memref_squeeze %dma_start3A_297 : memref<1x5x8x128xf32, #tpu.memory_space<vmem>> -> memref<5x8x128xf32, #tpu.memory_space<vmem>>
        %dma_start3A_299 = arith.constant 0 : i32
        %dma_start3A_300 = arith.constant 0 : i32
        %dma_start3A_301 = tpu.memref_slice %arg2[%select_n3A, %select_n3A_32, %mul3A_288, %dma_start3A_299, %dma_start3A_300] : memref<16x2x1250x8x128xf32, #tpu.memory_space<hbm>> -> memref<1x1x5x8x128xf32, #tpu.memory_space<hbm>>
        %dma_start3A_302 = tpu.memref_squeeze %dma_start3A_301 : memref<1x1x5x8x128xf32, #tpu.memory_space<hbm>> -> memref<5x8x128xf32, #tpu.memory_space<hbm>>
        %dma_start3A_303 = arith.constant 0 : i32
        %dma_start3A_304 = arith.constant 0 : i32
        %dma_start3A_305 = arith.constant 0 : i32
        %dma_start3A_306 = tpu.memref_slice %arg6[%dma_start3A_293, %dma_start3A_303, %dma_start3A_304, %dma_start3A_305] : memref<2x5x8x128xf32, #tpu.memory_space<vmem>> -> memref<1x5x8x128xf32, #tpu.memory_space<vmem>>
        %dma_start3A_307 = tpu.memref_squeeze %dma_start3A_306 : memref<1x5x8x128xf32, #tpu.memory_space<vmem>> -> memref<5x8x128xf32, #tpu.memory_space<vmem>>
        %dma_start3A_308 = arith.constant 0 : i32
        %dma_start3A_309 = arith.constant 0 : i32
        %dma_start3A_310 = tpu.memref_slice %arg2[%select_n3A, %select_n3A_32, %mul3A_288, %dma_start3A_308, %dma_start3A_309] : memref<16x2x1250x8x128xf32, #tpu.memory_space<hbm>> -> memref<1x1x5x8x128xf32, #tpu.memory_space<hbm>>
        %dma_start3A_311 = tpu.memref_squeeze %dma_start3A_310 : memref<1x1x5x8x128xf32, #tpu.memory_space<hbm>> -> memref<5x8x128xf32, #tpu.memory_space<hbm>>
        tpu.enqueue_dma source(%dma_start3A_311 : memref<5x8x128xf32, #tpu.memory_space<hbm>>) target(%dma_start3A_307 : memref<5x8x128xf32, #tpu.memory_space<vmem>>) target_semaphore(%arg10 : memref<!tpu.dma_semaphore, #tpu.memory_space<semaphore_mem>>)
        %dma_start3A_312 = arith.constant 0 : i32
        %dma_start3A_313 = arith.constant 0 : i32
        %dma_start3A_314 = arith.constant 0 : i32
        %dma_start3A_315 = arith.constant 0 : i32
        %dma_start3A_316 = tpu.memref_slice %arg7[%dma_start3A_312, %dma_start3A_313, %dma_start3A_314, %dma_start3A_315] : memref<2x5x8x128xf32, #tpu.memory_space<vmem>> -> memref<1x5x8x128xf32, #tpu.memory_space<vmem>>
        %dma_start3A_317 = tpu.memref_squeeze %dma_start3A_316 : memref<1x5x8x128xf32, #tpu.memory_space<vmem>> -> memref<5x8x128xf32, #tpu.memory_space<vmem>>
        %dma_start3A_318 = arith.constant 0 : i32
        %dma_start3A_319 = arith.constant 0 : i32
        %dma_start3A_320 = tpu.memref_slice %arg3[%select_n3A, %select_n3A_32, %mul3A_290, %dma_start3A_318, %dma_start3A_319] : memref<16x2x1250x8x128xf32, #tpu.memory_space<hbm>> -> memref<1x1x5x8x128xf32, #tpu.memory_space<hbm>>
        %dma_start3A_321 = tpu.memref_squeeze %dma_start3A_320 : memref<1x1x5x8x128xf32, #tpu.memory_space<hbm>> -> memref<5x8x128xf32, #tpu.memory_space<hbm>>
        %dma_start3A_322 = arith.constant 0 : i32
        %dma_start3A_323 = arith.constant 0 : i32
        %dma_start3A_324 = arith.constant 0 : i32
        %dma_start3A_325 = tpu.memref_slice %arg7[%dma_start3A_312, %dma_start3A_322, %dma_start3A_323, %dma_start3A_324] : memref<2x5x8x128xf32, #tpu.memory_space<vmem>> -> memref<1x5x8x128xf32, #tpu.memory_space<vmem>>
        %dma_start3A_326 = tpu.memref_squeeze %dma_start3A_325 : memref<1x5x8x128xf32, #tpu.memory_space<vmem>> -> memref<5x8x128xf32, #tpu.memory_space<vmem>>
        %dma_start3A_327 = arith.constant 0 : i32
        %dma_start3A_328 = arith.constant 0 : i32
        %dma_start3A_329 = tpu.memref_slice %arg3[%select_n3A, %select_n3A_32, %mul3A_290, %dma_start3A_327, %dma_start3A_328] : memref<16x2x1250x8x128xf32, #tpu.memory_space<hbm>> -> memref<1x1x5x8x128xf32, #tpu.memory_space<hbm>>
        %dma_start3A_330 = tpu.memref_squeeze %dma_start3A_329 : memref<1x1x5x8x128xf32, #tpu.memory_space<hbm>> -> memref<5x8x128xf32, #tpu.memory_space<hbm>>
        tpu.enqueue_dma source(%dma_start3A_330 : memref<5x8x128xf32, #tpu.memory_space<hbm>>) target(%dma_start3A_326 : memref<5x8x128xf32, #tpu.memory_space<vmem>>) target_semaphore(%arg10 : memref<!tpu.dma_semaphore, #tpu.memory_space<semaphore_mem>>)
        %dma_start3A_331 = arith.constant 0 : i32
        %dma_start3A_332 = arith.constant 0 : i32
        %dma_start3A_333 = tpu.memref_slice %arg8[%dma_start3A_331, %dma_start3A_332] : memref<2x640xi32, #tpu.memory_space<vmem>> -> memref<1x640xi32, #tpu.memory_space<vmem>>
        %dma_start3A_334 = tpu.memref_squeeze %dma_start3A_333 : memref<1x640xi32, #tpu.memory_space<vmem>> -> memref<640xi32, #tpu.memory_space<vmem>>
        %dma_start3A_335 = tpu.memref_slice %arg4[%mul3A_292] : memref<160000xi32, #tpu.memory_space<hbm>> -> memref<640xi32, #tpu.memory_space<hbm>>
        %dma_start3A_336 = arith.constant 0 : i32
        %dma_start3A_337 = tpu.memref_slice %arg8[%dma_start3A_331, %dma_start3A_336] : memref<2x640xi32, #tpu.memory_space<vmem>> -> memref<1x640xi32, #tpu.memory_space<vmem>>
        %dma_start3A_338 = tpu.memref_squeeze %dma_start3A_337 : memref<1x640xi32, #tpu.memory_space<vmem>> -> memref<640xi32, #tpu.memory_space<vmem>>
        %dma_start3A_339 = tpu.memref_slice %arg4[%mul3A_292] : memref<160000xi32, #tpu.memory_space<hbm>> -> memref<640xi32, #tpu.memory_space<hbm>>
        tpu.enqueue_dma source(%dma_start3A_339 : memref<640xi32, #tpu.memory_space<hbm>>) target(%dma_start3A_338 : memref<640xi32, #tpu.memory_space<vmem>>) target_semaphore(%arg10 : memref<!tpu.dma_semaphore, #tpu.memory_space<semaphore_mem>>)
      } else {
      }
      %mul3A_217 = arith.constant 2 : i32
      %mul3A_218 = arith.muli %scan3A_152, %mul3A_217 : i32
      %add3A_219 = arith.constant 1 : i32
      %add3A_220 = arith.addi %mul3A_218, %add3A_219 : i32
      %mul3A_221 = arith.constant 5 : i32
      %mul3A_222 = arith.muli %add3A_220, %mul3A_221 : i32
      %mul3A_223 = arith.constant 5 : i32
      %mul3A_224 = arith.muli %add3A_220, %mul3A_223 : i32
      %mul3A_225 = arith.constant 640 : i32
      %mul3A_226 = arith.muli %add3A_220, %mul3A_225 : i32
      %dma_wait3A_227 = arith.constant 1 : i32
      %dma_wait3A_228 = arith.constant 0 : i32
      %dma_wait3A_229 = arith.constant 0 : i32
      %dma_wait3A_230 = arith.constant 0 : i32
      %dma_wait3A_231 = tpu.memref_slice %arg6[%dma_wait3A_227, %dma_wait3A_228, %dma_wait3A_229, %dma_wait3A_230] : memref<2x5x8x128xf32, #tpu.memory_space<vmem>> -> memref<1x5x8x128xf32, #tpu.memory_space<vmem>>
      %dma_wait3A_232 = tpu.memref_squeeze %dma_wait3A_231 : memref<1x5x8x128xf32, #tpu.memory_space<vmem>> -> memref<5x8x128xf32, #tpu.memory_space<vmem>>
      %dma_wait3A_233 = arith.constant 0 : i32
      %dma_wait3A_234 = arith.constant 0 : i32
      %dma_wait3A_235 = tpu.memref_slice %arg2[%select_n3A, %select_n3A_32, %mul3A_222, %dma_wait3A_233, %dma_wait3A_234] : memref<16x2x1250x8x128xf32, #tpu.memory_space<hbm>> -> memref<1x1x5x8x128xf32, #tpu.memory_space<hbm>>
      %dma_wait3A_236 = tpu.memref_squeeze %dma_wait3A_235 : memref<1x1x5x8x128xf32, #tpu.memory_space<hbm>> -> memref<5x8x128xf32, #tpu.memory_space<hbm>>
      %dma_wait3A_237 = arith.constant 0 : i32
      %dma_wait3A_238 = arith.constant 0 : i32
      %dma_wait3A_239 = arith.constant 0 : i32
      %dma_wait3A_240 = tpu.memref_slice %arg6[%dma_wait3A_227, %dma_wait3A_237, %dma_wait3A_238, %dma_wait3A_239] : memref<2x5x8x128xf32, #tpu.memory_space<vmem>> -> memref<1x5x8x128xf32, #tpu.memory_space<vmem>>
      %dma_wait3A_241 = tpu.memref_squeeze %dma_wait3A_240 : memref<1x5x8x128xf32, #tpu.memory_space<vmem>> -> memref<5x8x128xf32, #tpu.memory_space<vmem>>
      %dma_wait3A_242 = arith.constant 0 : i32
      %dma_wait3A_243 = arith.constant 0 : i32
      %dma_wait3A_244 = tpu.memref_slice %arg2[%select_n3A, %select_n3A_32, %mul3A_222, %dma_wait3A_242, %dma_wait3A_243] : memref<16x2x1250x8x128xf32, #tpu.memory_space<hbm>> -> memref<1x1x5x8x128xf32, #tpu.memory_space<hbm>>
      %dma_wait3A_245 = tpu.memref_squeeze %dma_wait3A_244 : memref<1x1x5x8x128xf32, #tpu.memory_space<hbm>> -> memref<5x8x128xf32, #tpu.memory_space<hbm>>
      tpu.wait_dma2 semaphore(%arg11 : memref<!tpu.dma_semaphore, #tpu.memory_space<semaphore_mem>>) src(%dma_wait3A_245 : memref<5x8x128xf32, #tpu.memory_space<hbm>>) dst(%dma_wait3A_241 : memref<5x8x128xf32, #tpu.memory_space<vmem>>)
      %dma_wait3A_246 = arith.constant 1 : i32
      %dma_wait3A_247 = arith.constant 0 : i32
      %dma_wait3A_248 = arith.constant 0 : i32
      %dma_wait3A_249 = arith.constant 0 : i32
      %dma_wait3A_250 = tpu.memref_slice %arg7[%dma_wait3A_246, %dma_wait3A_247, %dma_wait3A_248, %dma_wait3A_249] : memref<2x5x8x128xf32, #tpu.memory_space<vmem>> -> memref<1x5x8x128xf32, #tpu.memory_space<vmem>>
      %dma_wait3A_251 = tpu.memref_squeeze %dma_wait3A_250 : memref<1x5x8x128xf32, #tpu.memory_space<vmem>> -> memref<5x8x128xf32, #tpu.memory_space<vmem>>
      %dma_wait3A_252 = arith.constant 0 : i32
      %dma_wait3A_253 = arith.constant 0 : i32
      %dma_wait3A_254 = tpu.memref_slice %arg3[%select_n3A, %select_n3A_32, %mul3A_224, %dma_wait3A_252, %dma_wait3A_253] : memref<16x2x1250x8x128xf32, #tpu.memory_space<hbm>> -> memref<1x1x5x8x128xf32, #tpu.memory_space<hbm>>
      %dma_wait3A_255 = tpu.memref_squeeze %dma_wait3A_254 : memref<1x1x5x8x128xf32, #tpu.memory_space<hbm>> -> memref<5x8x128xf32, #tpu.memory_space<hbm>>
      %dma_wait3A_256 = arith.constant 0 : i32
      %dma_wait3A_257 = arith.constant 0 : i32
      %dma_wait3A_258 = arith.constant 0 : i32
      %dma_wait3A_259 = tpu.memref_slice %arg7[%dma_wait3A_246, %dma_wait3A_256, %dma_wait3A_257, %dma_wait3A_258] : memref<2x5x8x128xf32, #tpu.memory_space<vmem>> -> memref<1x5x8x128xf32, #tpu.memory_space<vmem>>
      %dma_wait3A_260 = tpu.memref_squeeze %dma_wait3A_259 : memref<1x5x8x128xf32, #tpu.memory_space<vmem>> -> memref<5x8x128xf32, #tpu.memory_space<vmem>>
      %dma_wait3A_261 = arith.constant 0 : i32
      %dma_wait3A_262 = arith.constant 0 : i32
      %dma_wait3A_263 = tpu.memref_slice %arg3[%select_n3A, %select_n3A_32, %mul3A_224, %dma_wait3A_261, %dma_wait3A_262] : memref<16x2x1250x8x128xf32, #tpu.memory_space<hbm>> -> memref<1x1x5x8x128xf32, #tpu.memory_space<hbm>>
      %dma_wait3A_264 = tpu.memref_squeeze %dma_wait3A_263 : memref<1x1x5x8x128xf32, #tpu.memory_space<hbm>> -> memref<5x8x128xf32, #tpu.memory_space<hbm>>
      tpu.wait_dma2 semaphore(%arg11 : memref<!tpu.dma_semaphore, #tpu.memory_space<semaphore_mem>>) src(%dma_wait3A_264 : memref<5x8x128xf32, #tpu.memory_space<hbm>>) dst(%dma_wait3A_260 : memref<5x8x128xf32, #tpu.memory_space<vmem>>)
      %dma_wait3A_265 = arith.constant 1 : i32
      %dma_wait3A_266 = arith.constant 0 : i32
      %dma_wait3A_267 = tpu.memref_slice %arg8[%dma_wait3A_265, %dma_wait3A_266] : memref<2x640xi32, #tpu.memory_space<vmem>> -> memref<1x640xi32, #tpu.memory_space<vmem>>
      %dma_wait3A_268 = tpu.memref_squeeze %dma_wait3A_267 : memref<1x640xi32, #tpu.memory_space<vmem>> -> memref<640xi32, #tpu.memory_space<vmem>>
      %dma_wait3A_269 = tpu.memref_slice %arg4[%mul3A_226] : memref<160000xi32, #tpu.memory_space<hbm>> -> memref<640xi32, #tpu.memory_space<hbm>>
      %dma_wait3A_270 = arith.constant 0 : i32
      %dma_wait3A_271 = tpu.memref_slice %arg8[%dma_wait3A_265, %dma_wait3A_270] : memref<2x640xi32, #tpu.memory_space<vmem>> -> memref<1x640xi32, #tpu.memory_space<vmem>>
      %dma_wait3A_272 = tpu.memref_squeeze %dma_wait3A_271 : memref<1x640xi32, #tpu.memory_space<vmem>> -> memref<640xi32, #tpu.memory_space<vmem>>
      %dma_wait3A_273 = tpu.memref_slice %arg4[%mul3A_226] : memref<160000xi32, #tpu.memory_space<hbm>> -> memref<640xi32, #tpu.memory_space<hbm>>
      tpu.wait_dma2 semaphore(%arg11 : memref<!tpu.dma_semaphore, #tpu.memory_space<semaphore_mem>>) src(%dma_wait3A_273 : memref<640xi32, #tpu.memory_space<hbm>>) dst(%dma_wait3A_272 : memref<640xi32, #tpu.memory_space<vmem>>)
      %parallel_loop3A_274 = arith.constant 0 : i32
      %parallel_loop3A_275 = arith.constant 40 : i32
      %parallel_loop3A_276 = arith.constant 1 : i32
      scf.for %parallel_loop3A_285 = %parallel_loop3A_274 to %parallel_loop3A_275 step %parallel_loop3A_276  : i32 {
        %parallel_loop3A_286 = arith.constant 8 : i32
        %parallel_loop3A_287 = arith.divsi %parallel_loop3A_285, %parallel_loop3A_286 : i32
        %parallel_loop3A_288 = arith.constant 0 : i32
        %parallel_loop3A_289 = arith.cmpi sgt, %parallel_loop3A_285, %parallel_loop3A_288 : i32
        %parallel_loop3A_290 = arith.extui %parallel_loop3A_289 : i1 to i32
        %parallel_loop3A_291 = arith.constant 0 : i32
        %parallel_loop3A_292 = arith.cmpi slt, %parallel_loop3A_285, %parallel_loop3A_291 : i32
        %parallel_loop3A_293 = arith.extui %parallel_loop3A_292 : i1 to i32
        %parallel_loop3A_294 = arith.subi %parallel_loop3A_290, %parallel_loop3A_293 : i32
        %parallel_loop3A_295 = arith.constant 0 : i32
        %parallel_loop3A_296 = arith.cmpi sgt, %parallel_loop3A_286, %parallel_loop3A_295 : i32
        %parallel_loop3A_297 = arith.extui %parallel_loop3A_296 : i1 to i32
        %parallel_loop3A_298 = arith.constant 0 : i32
        %parallel_loop3A_299 = arith.cmpi slt, %parallel_loop3A_286, %parallel_loop3A_298 : i32
        %parallel_loop3A_300 = arith.extui %parallel_loop3A_299 : i1 to i32
        %parallel_loop3A_301 = arith.subi %parallel_loop3A_297, %parallel_loop3A_300 : i32
        %parallel_loop3A_302 = arith.cmpi ne, %parallel_loop3A_294, %parallel_loop3A_301 : i32
        %parallel_loop3A_303 = arith.remsi %parallel_loop3A_285, %parallel_loop3A_286 : i32
        %parallel_loop3A_304 = arith.constant 0 : i32
        %parallel_loop3A_305 = arith.cmpi ne, %parallel_loop3A_303, %parallel_loop3A_304 : i32
        %parallel_loop3A_306 = arith.andi %parallel_loop3A_302, %parallel_loop3A_305 : i1
        %parallel_loop3A_307 = arith.constant 1 : i32
        %parallel_loop3A_308 = arith.subi %parallel_loop3A_287, %parallel_loop3A_307 : i32
        %parallel_loop3A_309 = arith.select %parallel_loop3A_306, %parallel_loop3A_308, %parallel_loop3A_287 : i32
        %parallel_loop3A_310 = arith.constant 8 : i32
        %parallel_loop3A_311 = arith.constant 0 : i32
        %parallel_loop3A_312 = arith.cmpi eq, %parallel_loop3A_310, %parallel_loop3A_311 : i32
        %parallel_loop3A_313 = arith.constant 1 : i32
        %parallel_loop3A_314 = arith.select %parallel_loop3A_312, %parallel_loop3A_313, %parallel_loop3A_310 : i32
        %parallel_loop3A_315 = arith.remsi %parallel_loop3A_285, %parallel_loop3A_314 : i32
        %parallel_loop3A_316 = arith.constant 0 : i32
        %parallel_loop3A_317 = arith.cmpi ne, %parallel_loop3A_315, %parallel_loop3A_316 : i32
        %parallel_loop3A_318 = arith.constant 0 : i32
        %parallel_loop3A_319 = arith.cmpi slt, %parallel_loop3A_315, %parallel_loop3A_318 : i32
        %parallel_loop3A_320 = arith.constant 0 : i32
        %parallel_loop3A_321 = arith.cmpi slt, %parallel_loop3A_314, %parallel_loop3A_320 : i32
        %parallel_loop3A_322 = arith.xori %parallel_loop3A_319, %parallel_loop3A_321 : i1
        %parallel_loop3A_323 = arith.andi %parallel_loop3A_322, %parallel_loop3A_317 : i1
        %parallel_loop3A_324 = arith.addi %parallel_loop3A_315, %parallel_loop3A_314 : i32
        %parallel_loop3A_325 = arith.select %parallel_loop3A_323, %parallel_loop3A_324, %parallel_loop3A_315 : i32
        %parallel_loop3A_326 = arith.constant 16 : i32
        %parallel_loop3A_327 = arith.muli %parallel_loop3A_285, %parallel_loop3A_326 : i32
        %parallel_loop3A_328 = arith.constant 1 : i32
        %parallel_loop3A_329 = arith.index_cast %parallel_loop3A_328 : i32 to index
        %parallel_loop3A_330 = arith.index_cast %parallel_loop3A_327 : i32 to index
        %parallel_loop3A_331 = tpu.vector_load %arg8[%parallel_loop3A_329, %parallel_loop3A_330] {strides = array<i32>} : memref<2x640xi32, #tpu.memory_space<vmem>>, vector<16xi32>,
        %parallel_loop3A_332 = arith.constant 16 : i32
        %parallel_loop3A_333 = arith.muli %parallel_loop3A_325, %parallel_loop3A_332 : i32
        %parallel_loop3A_334 = arith.constant 1 : i32
        %parallel_loop3A_335 = arith.constant 0 : i32
        %parallel_loop3A_336 = arith.index_cast %parallel_loop3A_334 : i32 to index
        %parallel_loop3A_337 = arith.index_cast %parallel_loop3A_309 : i32 to index
        %parallel_loop3A_338 = arith.index_cast %parallel_loop3A_335 : i32 to index
        %parallel_loop3A_339 = arith.index_cast %parallel_loop3A_333 : i32 to index
        %parallel_loop3A_340 = tpu.vector_load %arg6[%parallel_loop3A_336, %parallel_loop3A_337, %parallel_loop3A_338, %parallel_loop3A_339] {strides = array<i32>} : memref<2x5x8x128xf32, #tpu.memory_space<vmem>>, vector<16xf32>,
        %parallel_loop3A_341 = arith.constant 1 : i32
        %parallel_loop3A_342 = arith.constant 0 : i32
        %parallel_loop3A_343 = arith.index_cast %parallel_loop3A_341 : i32 to index
        %parallel_loop3A_344 = arith.index_cast %parallel_loop3A_309 : i32 to index
        %parallel_loop3A_345 = arith.index_cast %parallel_loop3A_342 : i32 to index
        %parallel_loop3A_346 = arith.index_cast %parallel_loop3A_333 : i32 to index
        %parallel_loop3A_347 = tpu.vector_load %arg7[%parallel_loop3A_343, %parallel_loop3A_344, %parallel_loop3A_345, %parallel_loop3A_346] {strides = array<i32>} : memref<2x5x8x128xf32, #tpu.memory_space<vmem>>, vector<16xf32>,
        %parallel_loop3A_348 = arith.mulf %parallel_loop3A_340, %parallel_loop3A_347 : vector<16xf32>
        %parallel_loop3A_349 = arith.constant 0 : i32
        %parallel_loop3A_350 = arith.constant 0 : i32
        %parallel_loop3A_351 = tpu.memref_slice %arg9[%parallel_loop3A_349, %parallel_loop3A_350] : memref<8x10000xf32, #tpu.memory_space<vmem>> -> memref<1x10000xf32, #tpu.memory_space<vmem>>
        %parallel_loop3A_352 = tpu.memref_squeeze %parallel_loop3A_351 : memref<1x10000xf32, #tpu.memory_space<vmem>> -> memref<10000xf32, #tpu.memory_space<vmem>>
        tpu.vector_store_idx %parallel_loop3A_352[%parallel_loop3A_331], %parallel_loop3A_348 {add = true} : memref<10000xf32, #tpu.memory_space<vmem>>[vector<16xi32>], vector<16xf32>,
        %parallel_loop3A_353 = arith.constant 1 : i32
        %parallel_loop3A_354 = arith.constant 1 : i32
        %parallel_loop3A_355 = arith.index_cast %parallel_loop3A_353 : i32 to index
        %parallel_loop3A_356 = arith.index_cast %parallel_loop3A_309 : i32 to index
        %parallel_loop3A_357 = arith.index_cast %parallel_loop3A_354 : i32 to index
        %parallel_loop3A_358 = arith.index_cast %parallel_loop3A_333 : i32 to index
        %parallel_loop3A_359 = tpu.vector_load %arg6[%parallel_loop3A_355, %parallel_loop3A_356, %parallel_loop3A_357, %parallel_loop3A_358] {strides = array<i32>} : memref<2x5x8x128xf32, #tpu.memory_space<vmem>>, vector<16xf32>,
        %parallel_loop3A_360 = arith.constant 1 : i32
        %parallel_loop3A_361 = arith.constant 1 : i32
        %parallel_loop3A_362 = arith.index_cast %parallel_loop3A_360 : i32 to index
        %parallel_loop3A_363 = arith.index_cast %parallel_loop3A_309 : i32 to index
        %parallel_loop3A_364 = arith.index_cast %parallel_loop3A_361 : i32 to index
        %parallel_loop3A_365 = arith.index_cast %parallel_loop3A_333 : i32 to index
        %parallel_loop3A_366 = tpu.vector_load %arg7[%parallel_loop3A_362, %parallel_loop3A_363, %parallel_loop3A_364, %parallel_loop3A_365] {strides = array<i32>} : memref<2x5x8x128xf32, #tpu.memory_space<vmem>>, vector<16xf32>,
        %parallel_loop3A_367 = arith.mulf %parallel_loop3A_359, %parallel_loop3A_366 : vector<16xf32>
        %parallel_loop3A_368 = arith.constant 1 : i32
        %parallel_loop3A_369 = arith.constant 0 : i32
        %parallel_loop3A_370 = tpu.memref_slice %arg9[%parallel_loop3A_368, %parallel_loop3A_369] : memref<8x10000xf32, #tpu.memory_space<vmem>> -> memref<1x10000xf32, #tpu.memory_space<vmem>>
        %parallel_loop3A_371 = tpu.memref_squeeze %parallel_loop3A_370 : memref<1x10000xf32, #tpu.memory_space<vmem>> -> memref<10000xf32, #tpu.memory_space<vmem>>
        tpu.vector_store_idx %parallel_loop3A_371[%parallel_loop3A_331], %parallel_loop3A_367 {add = true} : memref<10000xf32, #tpu.memory_space<vmem>>[vector<16xi32>], vector<16xf32>,
        %parallel_loop3A_372 = arith.constant 1 : i32
        %parallel_loop3A_373 = arith.constant 2 : i32
        %parallel_loop3A_374 = arith.index_cast %parallel_loop3A_372 : i32 to index
        %parallel_loop3A_375 = arith.index_cast %parallel_loop3A_309 : i32 to index
        %parallel_loop3A_376 = arith.index_cast %parallel_loop3A_373 : i32 to index
        %parallel_loop3A_377 = arith.index_cast %parallel_loop3A_333 : i32 to index
        %parallel_loop3A_378 = tpu.vector_load %arg6[%parallel_loop3A_374, %parallel_loop3A_375, %parallel_loop3A_376, %parallel_loop3A_377] {strides = array<i32>} : memref<2x5x8x128xf32, #tpu.memory_space<vmem>>, vector<16xf32>,
        %parallel_loop3A_379 = arith.constant 1 : i32
        %parallel_loop3A_380 = arith.constant 2 : i32
        %parallel_loop3A_381 = arith.index_cast %parallel_loop3A_379 : i32 to index
        %parallel_loop3A_382 = arith.index_cast %parallel_loop3A_309 : i32 to index
        %parallel_loop3A_383 = arith.index_cast %parallel_loop3A_380 : i32 to index
        %parallel_loop3A_384 = arith.index_cast %parallel_loop3A_333 : i32 to index
        %parallel_loop3A_385 = tpu.vector_load %arg7[%parallel_loop3A_381, %parallel_loop3A_382, %parallel_loop3A_383, %parallel_loop3A_384] {strides = array<i32>} : memref<2x5x8x128xf32, #tpu.memory_space<vmem>>, vector<16xf32>,
        %parallel_loop3A_386 = arith.mulf %parallel_loop3A_378, %parallel_loop3A_385 : vector<16xf32>
        %parallel_loop3A_387 = arith.constant 2 : i32
        %parallel_loop3A_388 = arith.constant 0 : i32
        %parallel_loop3A_389 = tpu.memref_slice %arg9[%parallel_loop3A_387, %parallel_loop3A_388] : memref<8x10000xf32, #tpu.memory_space<vmem>> -> memref<1x10000xf32, #tpu.memory_space<vmem>>
        %parallel_loop3A_390 = tpu.memref_squeeze %parallel_loop3A_389 : memref<1x10000xf32, #tpu.memory_space<vmem>> -> memref<10000xf32, #tpu.memory_space<vmem>>
        tpu.vector_store_idx %parallel_loop3A_390[%parallel_loop3A_331], %parallel_loop3A_386 {add = true} : memref<10000xf32, #tpu.memory_space<vmem>>[vector<16xi32>], vector<16xf32>,
        %parallel_loop3A_391 = arith.constant 1 : i32
        %parallel_loop3A_392 = arith.constant 3 : i32
        %parallel_loop3A_393 = arith.index_cast %parallel_loop3A_391 : i32 to index
        %parallel_loop3A_394 = arith.index_cast %parallel_loop3A_309 : i32 to index
        %parallel_loop3A_395 = arith.index_cast %parallel_loop3A_392 : i32 to index
        %parallel_loop3A_396 = arith.index_cast %parallel_loop3A_333 : i32 to index
        %parallel_loop3A_397 = tpu.vector_load %arg6[%parallel_loop3A_393, %parallel_loop3A_394, %parallel_loop3A_395, %parallel_loop3A_396] {strides = array<i32>} : memref<2x5x8x128xf32, #tpu.memory_space<vmem>>, vector<16xf32>,
        %parallel_loop3A_398 = arith.constant 1 : i32
        %parallel_loop3A_399 = arith.constant 3 : i32
        %parallel_loop3A_400 = arith.index_cast %parallel_loop3A_398 : i32 to index
        %parallel_loop3A_401 = arith.index_cast %parallel_loop3A_309 : i32 to index
        %parallel_loop3A_402 = arith.index_cast %parallel_loop3A_399 : i32 to index
        %parallel_loop3A_403 = arith.index_cast %parallel_loop3A_333 : i32 to index
        %parallel_loop3A_404 = tpu.vector_load %arg7[%parallel_loop3A_400, %parallel_loop3A_401, %parallel_loop3A_402, %parallel_loop3A_403] {strides = array<i32>} : memref<2x5x8x128xf32, #tpu.memory_space<vmem>>, vector<16xf32>,
        %parallel_loop3A_405 = arith.mulf %parallel_loop3A_397, %parallel_loop3A_404 : vector<16xf32>
        %parallel_loop3A_406 = arith.constant 3 : i32
        %parallel_loop3A_407 = arith.constant 0 : i32
        %parallel_loop3A_408 = tpu.memref_slice %arg9[%parallel_loop3A_406, %parallel_loop3A_407] : memref<8x10000xf32, #tpu.memory_space<vmem>> -> memref<1x10000xf32, #tpu.memory_space<vmem>>
        %parallel_loop3A_409 = tpu.memref_squeeze %parallel_loop3A_408 : memref<1x10000xf32, #tpu.memory_space<vmem>> -> memref<10000xf32, #tpu.memory_space<vmem>>
        tpu.vector_store_idx %parallel_loop3A_409[%parallel_loop3A_331], %parallel_loop3A_405 {add = true} : memref<10000xf32, #tpu.memory_space<vmem>>[vector<16xi32>], vector<16xf32>,
        %parallel_loop3A_410 = arith.constant 1 : i32
        %parallel_loop3A_411 = arith.constant 4 : i32
        %parallel_loop3A_412 = arith.index_cast %parallel_loop3A_410 : i32 to index
        %parallel_loop3A_413 = arith.index_cast %parallel_loop3A_309 : i32 to index
        %parallel_loop3A_414 = arith.index_cast %parallel_loop3A_411 : i32 to index
        %parallel_loop3A_415 = arith.index_cast %parallel_loop3A_333 : i32 to index
        %parallel_loop3A_416 = tpu.vector_load %arg6[%parallel_loop3A_412, %parallel_loop3A_413, %parallel_loop3A_414, %parallel_loop3A_415] {strides = array<i32>} : memref<2x5x8x128xf32, #tpu.memory_space<vmem>>, vector<16xf32>,
        %parallel_loop3A_417 = arith.constant 1 : i32
        %parallel_loop3A_418 = arith.constant 4 : i32
        %parallel_loop3A_419 = arith.index_cast %parallel_loop3A_417 : i32 to index
        %parallel_loop3A_420 = arith.index_cast %parallel_loop3A_309 : i32 to index
        %parallel_loop3A_421 = arith.index_cast %parallel_loop3A_418 : i32 to index
        %parallel_loop3A_422 = arith.index_cast %parallel_loop3A_333 : i32 to index
        %parallel_loop3A_423 = tpu.vector_load %arg7[%parallel_loop3A_419, %parallel_loop3A_420, %parallel_loop3A_421, %parallel_loop3A_422] {strides = array<i32>} : memref<2x5x8x128xf32, #tpu.memory_space<vmem>>, vector<16xf32>,
        %parallel_loop3A_424 = arith.mulf %parallel_loop3A_416, %parallel_loop3A_423 : vector<16xf32>
        %parallel_loop3A_425 = arith.constant 4 : i32
        %parallel_loop3A_426 = arith.constant 0 : i32
        %parallel_loop3A_427 = tpu.memref_slice %arg9[%parallel_loop3A_425, %parallel_loop3A_426] : memref<8x10000xf32, #tpu.memory_space<vmem>> -> memref<1x10000xf32, #tpu.memory_space<vmem>>
        %parallel_loop3A_428 = tpu.memref_squeeze %parallel_loop3A_427 : memref<1x10000xf32, #tpu.memory_space<vmem>> -> memref<10000xf32, #tpu.memory_space<vmem>>
        tpu.vector_store_idx %parallel_loop3A_428[%parallel_loop3A_331], %parallel_loop3A_424 {add = true} : memref<10000xf32, #tpu.memory_space<vmem>>[vector<16xi32>], vector<16xf32>,
        %parallel_loop3A_429 = arith.constant 1 : i32
        %parallel_loop3A_430 = arith.constant 5 : i32
        %parallel_loop3A_431 = arith.index_cast %parallel_loop3A_429 : i32 to index
        %parallel_loop3A_432 = arith.index_cast %parallel_loop3A_309 : i32 to index
        %parallel_loop3A_433 = arith.index_cast %parallel_loop3A_430 : i32 to index
        %parallel_loop3A_434 = arith.index_cast %parallel_loop3A_333 : i32 to index
        %parallel_loop3A_435 = tpu.vector_load %arg6[%parallel_loop3A_431, %parallel_loop3A_432, %parallel_loop3A_433, %parallel_loop3A_434] {strides = array<i32>} : memref<2x5x8x128xf32, #tpu.memory_space<vmem>>, vector<16xf32>,
        %parallel_loop3A_436 = arith.constant 1 : i32
        %parallel_loop3A_437 = arith.constant 5 : i32
        %parallel_loop3A_438 = arith.index_cast %parallel_loop3A_436 : i32 to index
        %parallel_loop3A_439 = arith.index_cast %parallel_loop3A_309 : i32 to index
        %parallel_loop3A_440 = arith.index_cast %parallel_loop3A_437 : i32 to index
        %parallel_loop3A_441 = arith.index_cast %parallel_loop3A_333 : i32 to index
        %parallel_loop3A_442 = tpu.vector_load %arg7[%parallel_loop3A_438, %parallel_loop3A_439, %parallel_loop3A_440, %parallel_loop3A_441] {strides = array<i32>} : memref<2x5x8x128xf32, #tpu.memory_space<vmem>>, vector<16xf32>,
        %parallel_loop3A_443 = arith.mulf %parallel_loop3A_435, %parallel_loop3A_442 : vector<16xf32>
        %parallel_loop3A_444 = arith.constant 5 : i32
        %parallel_loop3A_445 = arith.constant 0 : i32
        %parallel_loop3A_446 = tpu.memref_slice %arg9[%parallel_loop3A_444, %parallel_loop3A_445] : memref<8x10000xf32, #tpu.memory_space<vmem>> -> memref<1x10000xf32, #tpu.memory_space<vmem>>
        %parallel_loop3A_447 = tpu.memref_squeeze %parallel_loop3A_446 : memref<1x10000xf32, #tpu.memory_space<vmem>> -> memref<10000xf32, #tpu.memory_space<vmem>>
        tpu.vector_store_idx %parallel_loop3A_447[%parallel_loop3A_331], %parallel_loop3A_443 {add = true} : memref<10000xf32, #tpu.memory_space<vmem>>[vector<16xi32>], vector<16xf32>,
        %parallel_loop3A_448 = arith.constant 1 : i32
        %parallel_loop3A_449 = arith.constant 6 : i32
        %parallel_loop3A_450 = arith.index_cast %parallel_loop3A_448 : i32 to index
        %parallel_loop3A_451 = arith.index_cast %parallel_loop3A_309 : i32 to index
        %parallel_loop3A_452 = arith.index_cast %parallel_loop3A_449 : i32 to index
        %parallel_loop3A_453 = arith.index_cast %parallel_loop3A_333 : i32 to index
        %parallel_loop3A_454 = tpu.vector_load %arg6[%parallel_loop3A_450, %parallel_loop3A_451, %parallel_loop3A_452, %parallel_loop3A_453] {strides = array<i32>} : memref<2x5x8x128xf32, #tpu.memory_space<vmem>>, vector<16xf32>,
        %parallel_loop3A_455 = arith.constant 1 : i32
        %parallel_loop3A_456 = arith.constant 6 : i32
        %parallel_loop3A_457 = arith.index_cast %parallel_loop3A_455 : i32 to index
        %parallel_loop3A_458 = arith.index_cast %parallel_loop3A_309 : i32 to index
        %parallel_loop3A_459 = arith.index_cast %parallel_loop3A_456 : i32 to index
        %parallel_loop3A_460 = arith.index_cast %parallel_loop3A_333 : i32 to index
        %parallel_loop3A_461 = tpu.vector_load %arg7[%parallel_loop3A_457, %parallel_loop3A_458, %parallel_loop3A_459, %parallel_loop3A_460] {strides = array<i32>} : memref<2x5x8x128xf32, #tpu.memory_space<vmem>>, vector<16xf32>,
        %parallel_loop3A_462 = arith.mulf %parallel_loop3A_454, %parallel_loop3A_461 : vector<16xf32>
        %parallel_loop3A_463 = arith.constant 6 : i32
        %parallel_loop3A_464 = arith.constant 0 : i32
        %parallel_loop3A_465 = tpu.memref_slice %arg9[%parallel_loop3A_463, %parallel_loop3A_464] : memref<8x10000xf32, #tpu.memory_space<vmem>> -> memref<1x10000xf32, #tpu.memory_space<vmem>>
        %parallel_loop3A_466 = tpu.memref_squeeze %parallel_loop3A_465 : memref<1x10000xf32, #tpu.memory_space<vmem>> -> memref<10000xf32, #tpu.memory_space<vmem>>
        tpu.vector_store_idx %parallel_loop3A_466[%parallel_loop3A_331], %parallel_loop3A_462 {add = true} : memref<10000xf32, #tpu.memory_space<vmem>>[vector<16xi32>], vector<16xf32>,
        %parallel_loop3A_467 = arith.constant 1 : i32
        %parallel_loop3A_468 = arith.constant 7 : i32
        %parallel_loop3A_469 = arith.index_cast %parallel_loop3A_467 : i32 to index
        %parallel_loop3A_470 = arith.index_cast %parallel_loop3A_309 : i32 to index
        %parallel_loop3A_471 = arith.index_cast %parallel_loop3A_468 : i32 to index
        %parallel_loop3A_472 = arith.index_cast %parallel_loop3A_333 : i32 to index
        %parallel_loop3A_473 = tpu.vector_load %arg6[%parallel_loop3A_469, %parallel_loop3A_470, %parallel_loop3A_471, %parallel_loop3A_472] {strides = array<i32>} : memref<2x5x8x128xf32, #tpu.memory_space<vmem>>, vector<16xf32>,
        %parallel_loop3A_474 = arith.constant 1 : i32
        %parallel_loop3A_475 = arith.constant 7 : i32
        %parallel_loop3A_476 = arith.index_cast %parallel_loop3A_474 : i32 to index
        %parallel_loop3A_477 = arith.index_cast %parallel_loop3A_309 : i32 to index
        %parallel_loop3A_478 = arith.index_cast %parallel_loop3A_475 : i32 to index
        %parallel_loop3A_479 = arith.index_cast %parallel_loop3A_333 : i32 to index
        %parallel_loop3A_480 = tpu.vector_load %arg7[%parallel_loop3A_476, %parallel_loop3A_477, %parallel_loop3A_478, %parallel_loop3A_479] {strides = array<i32>} : memref<2x5x8x128xf32, #tpu.memory_space<vmem>>, vector<16xf32>,
        %parallel_loop3A_481 = arith.mulf %parallel_loop3A_473, %parallel_loop3A_480 : vector<16xf32>
        %parallel_loop3A_482 = arith.constant 7 : i32
        %parallel_loop3A_483 = arith.constant 0 : i32
        %parallel_loop3A_484 = tpu.memref_slice %arg9[%parallel_loop3A_482, %parallel_loop3A_483] : memref<8x10000xf32, #tpu.memory_space<vmem>> -> memref<1x10000xf32, #tpu.memory_space<vmem>>
        %parallel_loop3A_485 = tpu.memref_squeeze %parallel_loop3A_484 : memref<1x10000xf32, #tpu.memory_space<vmem>> -> memref<10000xf32, #tpu.memory_space<vmem>>
        tpu.vector_store_idx %parallel_loop3A_485[%parallel_loop3A_331], %parallel_loop3A_481 {add = true} : memref<10000xf32, #tpu.memory_space<vmem>>[vector<16xi32>], vector<16xf32>,
      } {sc.loop_unroll_factor = 4 : i64, sc.parallel_access}
      %add3A_277 = arith.constant 2 : i32
      %add3A_278 = arith.addi %add3A_220, %add3A_277 : i32
      %lt3A_279 = arith.constant 250 : i32
      %lt3A_280 = arith.cmpi slt, %add3A_278, %lt3A_279 : i32
      %convert_element_type3A_281 = arith.extui %lt3A_280 : i1 to i32
      %cond3A_282 = arith.constant 0 : i32
      %cond3A_283 = arith.cmpi ne, %convert_element_type3A_281, %cond3A_282 : i32
      scf.if %cond3A_283 {
        %add3A_285 = arith.constant 2 : i32
        %add3A_286 = arith.addi %add3A_220, %add3A_285 : i32
        %mul3A_287 = arith.constant 5 : i32
        %mul3A_288 = arith.muli %add3A_286, %mul3A_287 : i32
        %mul3A_289 = arith.constant 5 : i32
        %mul3A_290 = arith.muli %add3A_286, %mul3A_289 : i32
        %mul3A_291 = arith.constant 640 : i32
        %mul3A_292 = arith.muli %add3A_286, %mul3A_291 : i32
        %dma_start3A_293 = arith.constant 1 : i32
        %dma_start3A_294 = arith.constant 0 : i32
        %dma_start3A_295 = arith.constant 0 : i32
        %dma_start3A_296 = arith.constant 0 : i32
        %dma_start3A_297 = tpu.memref_slice %arg6[%dma_start3A_293, %dma_start3A_294, %dma_start3A_295, %dma_start3A_296] : memref<2x5x8x128xf32, #tpu.memory_space<vmem>> -> memref<1x5x8x128xf32, #tpu.memory_space<vmem>>
        %dma_start3A_298 = tpu.memref_squeeze %dma_start3A_297 : memref<1x5x8x128xf32, #tpu.memory_space<vmem>> -> memref<5x8x128xf32, #tpu.memory_space<vmem>>
        %dma_start3A_299 = arith.constant 0 : i32
        %dma_start3A_300 = arith.constant 0 : i32
        %dma_start3A_301 = tpu.memref_slice %arg2[%select_n3A, %select_n3A_32, %mul3A_288, %dma_start3A_299, %dma_start3A_300] : memref<16x2x1250x8x128xf32, #tpu.memory_space<hbm>> -> memref<1x1x5x8x128xf32, #tpu.memory_space<hbm>>
        %dma_start3A_302 = tpu.memref_squeeze %dma_start3A_301 : memref<1x1x5x8x128xf32, #tpu.memory_space<hbm>> -> memref<5x8x128xf32, #tpu.memory_space<hbm>>
        %dma_start3A_303 = arith.constant 0 : i32
        %dma_start3A_304 = arith.constant 0 : i32
        %dma_start3A_305 = arith.constant 0 : i32
        %dma_start3A_306 = tpu.memref_slice %arg6[%dma_start3A_293, %dma_start3A_303, %dma_start3A_304, %dma_start3A_305] : memref<2x5x8x128xf32, #tpu.memory_space<vmem>> -> memref<1x5x8x128xf32, #tpu.memory_space<vmem>>
        %dma_start3A_307 = tpu.memref_squeeze %dma_start3A_306 : memref<1x5x8x128xf32, #tpu.memory_space<vmem>> -> memref<5x8x128xf32, #tpu.memory_space<vmem>>
        %dma_start3A_308 = arith.constant 0 : i32
        %dma_start3A_309 = arith.constant 0 : i32
        %dma_start3A_310 = tpu.memref_slice %arg2[%select_n3A, %select_n3A_32, %mul3A_288, %dma_start3A_308, %dma_start3A_309] : memref<16x2x1250x8x128xf32, #tpu.memory_space<hbm>> -> memref<1x1x5x8x128xf32, #tpu.memory_space<hbm>>
        %dma_start3A_311 = tpu.memref_squeeze %dma_start3A_310 : memref<1x1x5x8x128xf32, #tpu.memory_space<hbm>> -> memref<5x8x128xf32, #tpu.memory_space<hbm>>
        tpu.enqueue_dma source(%dma_start3A_311 : memref<5x8x128xf32, #tpu.memory_space<hbm>>) target(%dma_start3A_307 : memref<5x8x128xf32, #tpu.memory_space<vmem>>) target_semaphore(%arg11 : memref<!tpu.dma_semaphore, #tpu.memory_space<semaphore_mem>>)
        %dma_start3A_312 = arith.constant 1 : i32
        %dma_start3A_313 = arith.constant 0 : i32
        %dma_start3A_314 = arith.constant 0 : i32
        %dma_start3A_315 = arith.constant 0 : i32
        %dma_start3A_316 = tpu.memref_slice %arg7[%dma_start3A_312, %dma_start3A_313, %dma_start3A_314, %dma_start3A_315] : memref<2x5x8x128xf32, #tpu.memory_space<vmem>> -> memref<1x5x8x128xf32, #tpu.memory_space<vmem>>
        %dma_start3A_317 = tpu.memref_squeeze %dma_start3A_316 : memref<1x5x8x128xf32, #tpu.memory_space<vmem>> -> memref<5x8x128xf32, #tpu.memory_space<vmem>>
        %dma_start3A_318 = arith.constant 0 : i32
        %dma_start3A_319 = arith.constant 0 : i32
        %dma_start3A_320 = tpu.memref_slice %arg3[%select_n3A, %select_n3A_32, %mul3A_290, %dma_start3A_318, %dma_start3A_319] : memref<16x2x1250x8x128xf32, #tpu.memory_space<hbm>> -> memref<1x1x5x8x128xf32, #tpu.memory_space<hbm>>
        %dma_start3A_321 = tpu.memref_squeeze %dma_start3A_320 : memref<1x1x5x8x128xf32, #tpu.memory_space<hbm>> -> memref<5x8x128xf32, #tpu.memory_space<hbm>>
        %dma_start3A_322 = arith.constant 0 : i32
        %dma_start3A_323 = arith.constant 0 : i32
        %dma_start3A_324 = arith.constant 0 : i32
        %dma_start3A_325 = tpu.memref_slice %arg7[%dma_start3A_312, %dma_start3A_322, %dma_start3A_323, %dma_start3A_324] : memref<2x5x8x128xf32, #tpu.memory_space<vmem>> -> memref<1x5x8x128xf32, #tpu.memory_space<vmem>>
        %dma_start3A_326 = tpu.memref_squeeze %dma_start3A_325 : memref<1x5x8x128xf32, #tpu.memory_space<vmem>> -> memref<5x8x128xf32, #tpu.memory_space<vmem>>
        %dma_start3A_327 = arith.constant 0 : i32
        %dma_start3A_328 = arith.constant 0 : i32
        %dma_start3A_329 = tpu.memref_slice %arg3[%select_n3A, %select_n3A_32, %mul3A_290, %dma_start3A_327, %dma_start3A_328] : memref<16x2x1250x8x128xf32, #tpu.memory_space<hbm>> -> memref<1x1x5x8x128xf32, #tpu.memory_space<hbm>>
        %dma_start3A_330 = tpu.memref_squeeze %dma_start3A_329 : memref<1x1x5x8x128xf32, #tpu.memory_space<hbm>> -> memref<5x8x128xf32, #tpu.memory_space<hbm>>
        tpu.enqueue_dma source(%dma_start3A_330 : memref<5x8x128xf32, #tpu.memory_space<hbm>>) target(%dma_start3A_326 : memref<5x8x128xf32, #tpu.memory_space<vmem>>) target_semaphore(%arg11 : memref<!tpu.dma_semaphore, #tpu.memory_space<semaphore_mem>>)
        %dma_start3A_331 = arith.constant 1 : i32
        %dma_start3A_332 = arith.constant 0 : i32
        %dma_start3A_333 = tpu.memref_slice %arg8[%dma_start3A_331, %dma_start3A_332] : memref<2x640xi32, #tpu.memory_space<vmem>> -> memref<1x640xi32, #tpu.memory_space<vmem>>
        %dma_start3A_334 = tpu.memref_squeeze %dma_start3A_333 : memref<1x640xi32, #tpu.memory_space<vmem>> -> memref<640xi32, #tpu.memory_space<vmem>>
        %dma_start3A_335 = tpu.memref_slice %arg4[%mul3A_292] : memref<160000xi32, #tpu.memory_space<hbm>> -> memref<640xi32, #tpu.memory_space<hbm>>
        %dma_start3A_336 = arith.constant 0 : i32
        %dma_start3A_337 = tpu.memref_slice %arg8[%dma_start3A_331, %dma_start3A_336] : memref<2x640xi32, #tpu.memory_space<vmem>> -> memref<1x640xi32, #tpu.memory_space<vmem>>
        %dma_start3A_338 = tpu.memref_squeeze %dma_start3A_337 : memref<1x640xi32, #tpu.memory_space<vmem>> -> memref<640xi32, #tpu.memory_space<vmem>>
        %dma_start3A_339 = tpu.memref_slice %arg4[%mul3A_292] : memref<160000xi32, #tpu.memory_space<hbm>> -> memref<640xi32, #tpu.memory_space<hbm>>
        tpu.enqueue_dma source(%dma_start3A_339 : memref<640xi32, #tpu.memory_space<hbm>>) target(%dma_start3A_338 : memref<640xi32, #tpu.memory_space<vmem>>) target_semaphore(%arg11 : memref<!tpu.dma_semaphore, #tpu.memory_space<semaphore_mem>>)
      } else {
      }
      %scan3A_284 = arith.constant 0 : i32
      scf.yield %scan3A_284 : i32
    }
    %scan3A_151 = arith.constant 125 : i32
    "tpu.region"() ({
      %run_scoped3A = tpu.sem_alloc : memref<!tpu.dma_semaphore, #tpu.memory_space<semaphore_mem>>
      %dma_start3A_152 = arith.constant 0 : i32
      %dma_start3A_153 = tpu.memref_slice %arg5[%mul3A_2, %dma_start3A_152] : memref<256x10000xf32, #tpu.memory_space<hbm>> -> memref<8x10000xf32, #tpu.memory_space<hbm>>
      %dma_start3A_154 = arith.constant 0 : i32
      %dma_start3A_155 = tpu.memref_slice %arg5[%mul3A_2, %dma_start3A_154] : memref<256x10000xf32, #tpu.memory_space<hbm>> -> memref<8x10000xf32, #tpu.memory_space<hbm>>
      tpu.enqueue_dma source(%arg9 : memref<8x10000xf32, #tpu.memory_space<vmem>>) target(%dma_start3A_155 : memref<8x10000xf32, #tpu.memory_space<hbm>>) target_semaphore(%run_scoped3A : memref<!tpu.dma_semaphore, #tpu.memory_space<semaphore_mem>>)
      %dma_wait3A = arith.constant 0 : i32
      %dma_wait3A_156 = tpu.memref_slice %arg5[%mul3A_2, %dma_wait3A] : memref<256x10000xf32, #tpu.memory_space<hbm>> -> memref<8x10000xf32, #tpu.memory_space<hbm>>
      %dma_wait3A_157 = arith.constant 0 : i32
      %dma_wait3A_158 = tpu.memref_slice %arg5[%mul3A_2, %dma_wait3A_157] : memref<256x10000xf32, #tpu.memory_space<hbm>> -> memref<8x10000xf32, #tpu.memory_space<hbm>>
      tpu.wait_dma2 semaphore(%run_scoped3A : memref<!tpu.dma_semaphore, #tpu.memory_space<semaphore_mem>>) src(%arg9 : memref<8x10000xf32, #tpu.memory_space<vmem>>) dst(%dma_wait3A_158 : memref<8x10000xf32, #tpu.memory_space<hbm>>)
      tpu.yield
    }) : () -> ()
    return
  }
}

module attributes {stable_mosaic.version = 14 : i64} {
  func.func @_tc_tail_kernel(%arg0: memref<256x10000xf32, #tpu.memory_space<vmem>>, %arg1: memref<1x256xf32, #tpu.memory_space<vmem>>, %arg2: memref<256x4096xf32, #tpu.memory_space<vmem>>, %arg3: memref<1x4096xf32, #tpu.memory_space<vmem>>, %arg4: memref<4096x256xf32, #tpu.memory_space<vmem>>, %arg5: memref<1x256xf32, #tpu.memory_space<vmem>>, %arg6: memref<256x16xf32, #tpu.memory_space<vmem>>, %arg7: memref<1x16xf32, #tpu.memory_space<vmem>>, %arg8: memref<1x16xf32, #tpu.memory_space<vmem>>) attributes {dimension_semantics = [], scalar_prefetch = 0 : i64, scratch_operands = 0 : i64, tpu.core_type = #tpu.core_type<tc>} {
    %get3A = arith.constant 0 : index
    %get3A_0 = arith.constant 0 : index
    %get3A_1 = vector.load %arg0[%get3A, %get3A_0] : memref<256x10000xf32, #tpu.memory_space<vmem>>, vector<256x10000xf32>
    %get3A_2 = arith.constant 0 : index
    %get3A_3 = arith.constant 0 : index
    %get3A_4 = vector.load %arg1[%get3A_2, %get3A_3] : memref<1x256xf32, #tpu.memory_space<vmem>>, vector<1x256xf32>
    %dot_general3A = arith.constant dense<0.000000e+00> : vector<1x10000xf32>
    %dot_general3A_5 = tpu.matmul %get3A_4, %get3A_1, %dot_general3A {dimension_numbers = #tpu.dot_dimension_numbers<[1], [0], [0], [1], [0, 0, 1, 1], [], []>, transpose_lhs_hint = false} : vector<1x256xf32>, vector<256x10000xf32>, vector<1x10000xf32> -> vector<1x10000xf32>
    %reduce_max3A = vector.shape_cast %dot_general3A_5 : vector<1x10000xf32> to vector<1x1x10000xf32>
    %reduce_max3A_6 = arith.constant dense<0xFF800000> : vector<1xf32>
    %reduce_max3A_7 = vector.multi_reduction <maximumf>, %reduce_max3A, %reduce_max3A_6 [1, 2] : vector<1x1x10000xf32> to vector<1xf32>
    %reduce_max3A_8 = vector.shape_cast %reduce_max3A_7 : vector<1xf32> to vector<1x1x1xf32>
    %reduce_max3A_9 = vector.extract %reduce_max3A_8[0, 0, 0] : f32 from vector<1x1x1xf32>
    %sub3A = vector.broadcast %reduce_max3A_9 : f32 to vector<1x10000xf32>
    %sub3A_10 = arith.subf %dot_general3A_5, %sub3A : vector<1x10000xf32>
    %exp3A = math.exp %sub3A_10 : vector<1x10000xf32>
    %reduce_sum3A = vector.shape_cast %exp3A : vector<1x10000xf32> to vector<1x1x10000xf32>
    %reduce_sum3A_11 = arith.constant dense<0.000000e+00> : vector<1xf32>
    %reduce_sum3A_12 = vector.multi_reduction <add>, %reduce_sum3A, %reduce_sum3A_11 [1, 2] : vector<1x1x10000xf32> to vector<1xf32>
    %reduce_sum3A_13 = vector.shape_cast %reduce_sum3A_12 : vector<1xf32> to vector<1x1x1xf32>
    %reduce_sum3A_14 = vector.extract %reduce_sum3A_13[0, 0, 0] : f32 from vector<1x1x1xf32>
    %div3A = vector.broadcast %reduce_sum3A_14 : f32 to vector<1x10000xf32>
    %div3A_15 = arith.divf %exp3A, %div3A : vector<1x10000xf32>
    %dot_general3A_16 = arith.constant dense<0.000000e+00> : vector<1x256xf32>
    %dot_general3A_17 = tpu.matmul %div3A_15, %get3A_1, %dot_general3A_16 {dimension_numbers = #tpu.dot_dimension_numbers<[1], [1], [0], [0], [0, 0, 1, 0], [], []>, transpose_lhs_hint = false} : vector<1x10000xf32>, vector<256x10000xf32>, vector<1x256xf32> -> vector<1x256xf32>
    %get3A_18 = arith.constant 0 : index
    %get3A_19 = arith.constant 0 : index
    %get3A_20 = vector.load %arg2[%get3A_18, %get3A_19] : memref<256x4096xf32, #tpu.memory_space<vmem>>, vector<256x4096xf32>
    %dot_general3A_21 = arith.constant dense<0.000000e+00> : vector<1x4096xf32>
    %dot_general3A_22 = tpu.matmul %dot_general3A_17, %get3A_20, %dot_general3A_21 {dimension_numbers = #tpu.dot_dimension_numbers<[1], [0], [0], [1], [0, 0, 1, 1], [], []>, transpose_lhs_hint = false} : vector<1x256xf32>, vector<256x4096xf32>, vector<1x4096xf32> -> vector<1x4096xf32>
    %get3A_23 = arith.constant 0 : index
    %get3A_24 = arith.constant 0 : index
    %get3A_25 = vector.load %arg3[%get3A_23, %get3A_24] : memref<1x4096xf32, #tpu.memory_space<vmem>>, vector<1x4096xf32>
    %add3A = arith.addf %dot_general3A_22, %get3A_25 : vector<1x4096xf32>
    %max3A = arith.constant 0.000000e+00 : f32
    %max3A_26 = vector.broadcast %max3A : f32 to vector<1x4096xf32>
    %max3A_27 = arith.maximumf %add3A, %max3A_26 : vector<1x4096xf32>
    %neg3A = arith.constant 0.000000e+00 : f32
    %neg3A_28 = vector.broadcast %neg3A : f32 to vector<1x4096xf32>
    %neg3A_29 = arith.subf %neg3A_28, %max3A_27 : vector<1x4096xf32>
    %exp3A_30 = math.exp %neg3A_29 : vector<1x4096xf32>
    %add3A_31 = arith.constant 1.000000e+00 : f32
    %add3A_32 = vector.broadcast %add3A_31 : f32 to vector<1x4096xf32>
    %add3A_33 = arith.addf %add3A_32, %exp3A_30 : vector<1x4096xf32>
    %div3A_34 = arith.constant 1.000000e+00 : f32
    %div3A_35 = vector.broadcast %div3A_34 : f32 to vector<1x4096xf32>
    %div3A_36 = arith.divf %div3A_35, %add3A_33 : vector<1x4096xf32>
    %get3A_37 = arith.constant 0 : index
    %get3A_38 = arith.constant 0 : index
    %get3A_39 = vector.load %arg4[%get3A_37, %get3A_38] : memref<4096x256xf32, #tpu.memory_space<vmem>>, vector<4096x256xf32>
    %dot_general3A_40 = arith.constant dense<0.000000e+00> : vector<1x256xf32>
    %dot_general3A_41 = tpu.matmul %div3A_36, %get3A_39, %dot_general3A_40 {dimension_numbers = #tpu.dot_dimension_numbers<[1], [0], [0], [1], [0, 0, 1, 1], [], []>, transpose_lhs_hint = false} : vector<1x4096xf32>, vector<4096x256xf32>, vector<1x256xf32> -> vector<1x256xf32>
    %get3A_42 = arith.constant 0 : index
    %get3A_43 = arith.constant 0 : index
    %get3A_44 = vector.load %arg5[%get3A_42, %get3A_43] : memref<1x256xf32, #tpu.memory_space<vmem>>, vector<1x256xf32>
    %add3A_45 = arith.addf %dot_general3A_41, %get3A_44 : vector<1x256xf32>
    %max3A_46 = arith.constant 0.000000e+00 : f32
    %max3A_47 = vector.broadcast %max3A_46 : f32 to vector<1x256xf32>
    %max3A_48 = arith.maximumf %add3A_45, %max3A_47 : vector<1x256xf32>
    %get3A_49 = arith.constant 0 : index
    %get3A_50 = arith.constant 0 : index
    %get3A_51 = vector.load %arg6[%get3A_49, %get3A_50] : memref<256x16xf32, #tpu.memory_space<vmem>>, vector<256x16xf32>
    %dot_general3A_52 = arith.constant dense<0.000000e+00> : vector<1x16xf32>
    %dot_general3A_53 = tpu.matmul %max3A_48, %get3A_51, %dot_general3A_52 {dimension_numbers = #tpu.dot_dimension_numbers<[1], [0], [0], [1], [0, 0, 1, 1], [], []>, transpose_lhs_hint = false} : vector<1x256xf32>, vector<256x16xf32>, vector<1x16xf32> -> vector<1x16xf32>
    %get3A_54 = arith.constant 0 : index
    %get3A_55 = arith.constant 0 : index
    %get3A_56 = vector.load %arg7[%get3A_54, %get3A_55] : memref<1x16xf32, #tpu.memory_space<vmem>>, vector<1x16xf32>
    %add3A_57 = arith.addf %dot_general3A_53, %get3A_56 : vector<1x16xf32>
    %swap3A = arith.constant 0 : index
    %swap3A_58 = arith.constant 0 : index
    %swap3A_59 = vector.load %arg8[%swap3A, %swap3A_58] : memref<1x16xf32, #tpu.memory_space<vmem>>, vector<1x16xf32>
    tpu.vector_store %arg8[%swap3A, %swap3A_58], %add3A_57 {strides = array<i32>} : memref<1x16xf32, #tpu.memory_space<vmem>>, vector<1x16xf32>,
    return
  }
}

</mosaic_0001>

<sc_bundles>
// kernel: kernel.4.cloned.1.call-start
scs
__scs_entry_jumppad:
0x0: {  	(pc) =	sbr.rel $0x88, $3  }
0x1: {  	(tag) =	ssettag $0x0;
	lr =	simm.s32 $0x1  }
0x2: {  	[smem:$0x3F95] =	sst lr;
	_ =	strace $0xD0000000  }
0x3: {  	_ = 	snop  }
0x4: {  	_ = 	snop  }
0x5: {  	_ = 	snop  }
0x6: {  	_ = 	snop  }
0x7: {  	_ = 	snop  }
__scs_overlays_trampoline_lowered:
0x8: {  	[smem:$0x3FA4] =	sst s0  }
0x9: {  	[smem:$0x3FA5] =	sst s1  }
0xa: {  	[smem:$0x3FA6] =	sst s2  }
0xb: {  	[smem:$0x3FA7] =	sst s3  }
0xc: {  	[smem:$0x3FA8] =	sst s4  }
0xd: {  	[smem:$0x3FA9] =	sst s5  }
0xe: {  	[smem:$0x3FAA] =	sst s6  }
0xf: {  	[smem:$0x3FAB] =	sst s7  }
0x10: {  	[smem:$0x3FAC] =	sst s8  }
0x11: {  	[smem:$0x3FAD] =	sst s9;
	s0 =	simm.s32 @!p0 $0x0  }
0x12: {  	s1 =	sld [smem:$0x3F93];
	s0 =	simm.s32 @p0 $0x1  }
0x13: {  	[smem:$0x3FAE] =	sst s0;
	s0 =	simm.s32 @!p1 $0x0  }
0x14: {  	s2 =	sld [smem:$0x3F92];
	s0 =	simm.s32 @p1 $0x1  }
0x15: {  	[smem:$0x3FAF] =	sst s0;
	s0 =	simm.s32 @!p2 $0x0  }
0x16: {  	s3 =	sld [smem:$0x3FDB];
	s0 =	simm.s32 @p2 $0x1  }
0x17: {  	s4 =	simm.s32 $0x1BF5;
	[smem:$0x3FB1] =	sst s0  }
0x18: {  	s0 =	sld [smem:$0x3F94];
	_ =	swait.ge [sflag:s4], $0x0  }
0x19: {  	s7 =	sld [smem:$0x3F95]  }
0x1a: {  	s8 =	sadd.s32 $0xFFFFE003, lr  }
0x1b: {  	s9 =	sadd.s32 $0xFFFFFEF7, lr;
	s5 =	simm.s32 $0xFFFFFFFF;
	p2 =	slt.u32 s8, $0xFFFFF086  }
0x1c: {  	p1 =	slt.u32 s9, $0xF7A;
	s5 =	simm.s32 @!p2 $0x0  }
0x1d: {  	s5 =	simm.s32 @p1 $0x1;
	p0 =	seq.s32 s7, s2  }
0x1e: {  	s7 =	smul.u32 @!p0 $0xF7A, s2;
	p2 =	seq.s32 @!p0 s5, $0x0  }
0x1f: {  	s9 =	smul.u32 $0xF7A, s1;
	s8 =	simm.s32 @!p0 $0x1BF5;
	p2 =	por !p2, p0  }
0x20: {  	[sflag:s8] =	ssyncset.s32 @!p0 $0xFFFFF086;
	s6 =	sadd.s32 @!p0 s3, s7;
	s7 =	simm.s32 @!p0 $0x108  }
0x21: {  	s3 =	sadd.s32 s3, s9;
	s6 =	sadd.s32 @!p0 $0x88, s6;
	s7 =	simm.s32 @p2 $0x1082  }
0x22: {  	[simem:s7], [sflag:s8] =	dma.local @!p0 [hbm:s6], $0xF7A  }
0x23: {  	s9 =	sor.u32 $0xD0000000, s2;
	s6 =	simm.s32 $0x108;
	_ =	swait.ge @!p0 [sflag:s8], $0x0  }
0x24: {  	s3 =	sadd.s32 $0x88, s3;
	s6 =	simm.s32 @!p1 $0x1082;
	[sflag:s4] =	ssyncset.s32 $0xFFFFF086  }
0x25: {  	[simem:s6], [sflag:s4] =	dma.local [hbm:s3], $0xF7A  }
0x26: {  	[smem:$0x3F95] =	sst s1;
	(tag) =	ssettag s2;
	_ =	strace s9  }
0x27: {  	s1 =	sld [smem:$0x3FA5]  }
0x28: {  	s2 =	sld [smem:$0x3FA6]  }
0x29: {  	s4 =	sld [smem:$0x3FA8]  }
0x2a: {  	p0 =	seq.s32 s5, $0x0;
	s5 =	sld [smem:$0x3FA9]  }
0x2b: {  	s6 =	sld [smem:$0x3FAA]  }
0x2c: {  	s7 =	sld [smem:$0x3FAB]  }
0x2d: {  	s3 =	simm.s32 $0x108;
	s8 =	sld [smem:$0x3FAC]  }
0x2e: {  	s3 =	simm.s32 @!p0 $0x1082;
	s9 =	sld [smem:$0x3FAD]  }
0x2f: {  	lr =	sadd.s32 s0, s3;
	s0 =	sld [smem:$0x3FA4]  }
0x30: {  	s3 =	sld [smem:$0x3FA7]  }
0x31: {  	[smem:$0x3FB0] =	sst s10  }
0x32: {  	s10 =	sld [smem:$0x3FAE];
	_ =	sdelay $0x3  }
0x33: {  	p0 =	seq.s32 s10, $0x1;
	s10 =	sld [smem:$0x3FB0];
	_ =	sdelay $0x3  }
0x34: {  	[smem:$0x3FB0] =	sst s10  }
0x35: {  	s10 =	sld [smem:$0x3FAF];
	_ =	sdelay $0x3  }
0x36: {  	p1 =	seq.s32 s10, $0x1;
	s10 =	sld [smem:$0x3FB0];
	_ =	sdelay $0x3  }
0x37: {  	[smem:$0x3FB0] =	sst s10  }
0x38: {  	s10 =	sld [smem:$0x3FB1]  }
0x39: {  	_ = 	snop;
	(pc) =	sbr.ind lr, $3  }
0x3a: {  	_ = 	snop  }
0x3b: {  	_ = 	snop  }
0x3c: {  	p2 =	seq.s32 s10, $0x1;
	s10 =	sld [smem:$0x3FB0]  }
0x3d: {  	_ =	shalt  }
0x3e: {  	_ =	shalt  }
0x3f: {  	_ =	shalt  }
0x40: {  	_ =	shalt  }
0x41: {  	_ =	shalt  }
0x42: {  	_ =	shalt  }
0x43: {  	_ =	shalt  }
0x44: {  	_ =	shalt  }
0x45: {  	_ =	shalt  }
0x46: {  	_ =	shalt  }
0x47: {  	_ =	shalt  }
0x48: {  	_ =	shalt  }
0x49: {  	_ =	shalt  }
0x4a: {  	_ =	shalt  }
0x4b: {  	_ =	shalt  }
0x4c: {  	_ =	shalt  }
0x4d: {  	_ =	shalt  }
0x4e: {  	_ =	shalt  }
0x4f: {  	_ =	shalt  }
0x50: {  	_ =	shalt  }
0x51: {  	_ =	shalt  }
0x52: {  	_ =	shalt  }
0x53: {  	_ =	shalt  }
0x54: {  	_ =	shalt  }
0x55: {  	_ =	shalt  }
0x56: {  	_ =	shalt  }
0x57: {  	_ =	shalt  }
0x58: {  	_ =	shalt  }
0x59: {  	_ =	shalt  }
0x5a: {  	_ =	shalt  }
0x5b: {  	_ =	shalt  }
0x5c: {  	_ =	shalt  }
0x5d: {  	_ =	shalt  }
0x5e: {  	_ =	shalt  }
0x5f: {  	_ =	shalt  }
0x60: {  	_ =	shalt  }
0x61: {  	_ =	shalt  }
0x62: {  	_ =	shalt  }
0x63: {  	_ =	shalt  }
0x64: {  	_ =	shalt  }
0x65: {  	_ =	shalt  }
0x66: {  	_ =	shalt  }
0x67: {  	_ =	shalt  }
0x68: {  	_ =	shalt  }
0x69: {  	_ =	shalt  }
0x6a: {  	_ =	shalt  }
0x6b: {  	_ =	shalt  }
0x6c: {  	_ =	shalt  }
0x6d: {  	_ =	shalt  }
0x6e: {  	_ =	shalt  }
0x6f: {  	_ =	shalt  }
0x70: {  	_ =	shalt  }
0x71: {  	_ =	shalt  }
0x72: {  	_ =	shalt  }
0x73: {  	_ =	shalt  }
0x74: {  	_ =	shalt  }
0x75: {  	_ =	shalt  }
0x76: {  	_ =	shalt  }
0x77: {  	_ =	shalt  }
0x78: {  	_ =	shalt  }
0x79: {  	_ =	shalt  }
0x7a: {  	_ =	shalt  }
0x7b: {  	_ =	shalt  }
0x7c: {  	_ =	shalt  }
0x7d: {  	_ =	shalt  }
0x7e: {  	_ =	shalt  }
0x7f: {  	_ =	shalt  }
0x80: {  	_ =	shalt  }
0x81: {  	_ =	shalt  }
0x82: {  	_ =	shalt  }
0x83: {  	_ =	shalt  }
0x84: {  	_ =	shalt  }
0x85: {  	_ =	shalt  }
0x86: {  	_ =	shalt  }
0x87: {  	_ =	shalt  }
.Lfunc_end0:
.L_simem_size_0:
called_computation_lowered:
.L_overlay_start_0:
0x88: {  	s2 =	sld [smem:$0x3FD9]  }
0x89: {  	s3 =	sld [smem:$0x3FFE];
	_ =	sdelay $0x1  }
0x8a: {  	s1 =	srdreg.scid  }
0x8b: {  	s0 =	sand.u32 $0x1, s1  }
0x8c: {  	s17 =	sshll.u32 s0, $0xA;
	s2 =	sadd.s32 s3, s2  }
0x8d: {  	s2 =	sadd.s32 s2, s17  }
0x8e: {  	[smem:$0x3FBC] =	sst s2  }
0x8f: {  	_ = 	snop  }
0x90: {  	s2 =	sld [smem:$0x3FC9]  }
0x91: {  	s18 =	sld [smem:$0x3FC8]  }
0x92: {  	s4 =	sld [smem:$0x3FC7];
	(tm) =	ssettm $0x1  }
0x93: {  	s5 =	sld [smem:$0x3FFB];
	_ =	sdelay $0x3  }
0x94: {  	_ =	strace s5  }
0x95: {  	s5 =	sld [smem:$0x3FFC];
	_ =	sdelay $0x3  }
0x96: {  	_ =	strace s5  }
0x97: {  	s5 =	sld [smem:$0x3FFD];
	_ =	sdelay $0x3  }
0x98: {  	_ =	strace s5  }
0x99: {  	_ =	strace $0x8FFFFFFF  }
0x9a: {  	s19 =	sld [smem:$0x3FDB];
	_ =	sdelay $0x1  }
0x9b: {  	s6 =	simm.s32 $_scs_section_size  }
0x9c: {  	s7 =	simm.s32 $_size__tile_overlayer_lowered;
	s8 =	simm.s32 $_tile_overlayer_lowered  }
0x9d: {  	s22 =	simm.s32 $0x1BFF;
	s21 =	sshll.u32 s8, $0x1;
	s5 =	sadd.s32 s6, s19  }
0x9e: {  	s9 =	simm.s32 $0x0;
	s20 =	sshll.u32 s7, $0x1;
	s7 =	sadd.s32 s21, s5  }
0x9f: {  	[timem:s9], [sflag:s22] =	dma.local [hbm:s7], s20  }
0xa0: {  	_ =	swait.ge [sflag:s22], s20  }
0xa1: {  	s6 =	ssub.s32 $0x0, s20;
	[sflag:s22] =	ssyncset.done $0x0  }
0xa2: {  	[sflag:s22] =	ssyncadd.s32 s6;
	_ =	sdelay $0x1  }
0xa3: {  	s23 =	simm.s32 $0x1B8B  }
0xa4: {  	_ =	swait.ge [sflag:s23], $0x1  }
0xa5: {  	[sflag:s23] =	ssyncset.done $0x0  }
0xa6: {  	s25 =	simm.s32 $0x1B8E;
	s24 =	sld [smem:$0x3FFE];
	[sflag:s23] =	ssyncadd.s32 $0xFFFFFFFF  }
0xa7: {  	s26 =	simm.s32 $execute0_lowered;
	[smem:$0x3FD2] =	sst s25  }
0xa8: {  	s7 =	sshll.u32 s26, $0x1;
	_ =	strace $0x80000046;
	[dreg:$0x1] =	wrdreg $0xFFFFFFFF  }
0xa9: {  	s28 =	simm.s32 $_size_execute0_lowered;
	s5 =	sadd.s32 s5, s7;
	[dreg:$0x0] =	wrdreg $0x0  }
0xaa: {  	s7 =	sshll.u32 s28, $0x1;
	[dreg:$0x2] =	wrdreg s5  }
0xab: {  	[dreg:$0x3] =	wrdreg s7  }
0xac: {  	[dreg:$0x4] =	wrdreg $0xC0  }
0xad: {  	_ =	task [dreg:s9], $0x5FFFF  }
0xae: {  	[dreg:$0x1] =	wrdreg $0xFFFFFFFF  }
0xaf: {  	[dreg:$0x0] =	wrdreg $0x60  }
0xb0: {  	[dreg:$0x2] =	wrdreg s2  }
0xb1: {  	[dreg:$0x3] =	wrdreg s18  }
0xb2: {  	[dreg:$0x4] =	wrdreg s4  }
0xb3: {  	[dreg:$0x5] =	wrdreg s24  }
0xb4: {  	[dreg:$0x6] =	wrdreg $0x9  }
0xb5: {  	_ =	task.clear_ibuf [dreg:s9], $0x7FFFF;
	_ =	strace $0x90000046  }
0xb6: {  	s29 =	simm.s32 $0x9;
	_ =	strace $0x80000048  }
0xb7: {  	_ =	swait.ge [sflag:s29], $0x1  }
0xb8: {  	[sflag:s29] =	ssyncadd.s32 $0xFFFFFFFF  }
0xb9: {  	_ =	strace $0x90000048  }
0xba: {  	_ =	sfence  }
0xbb: {  	s30 =	sld [smem:$0x0];
	_ =	sdelay $0x2  }
0xbc: {  	s31 =	sshll.u32 s1, $0xD;
	s1 =	sshrl.u32 s1, $0x2  }
0xbd: {  	s3 =	sand.u32 $0x4000, s31;
	s1 =	sadd.s32 s1, s30  }
0xbe: {  	s0 =	sor.u32 s3, s0;
	s1 =	sshll.u32 s1, $0x11  }
0xbf: {  	s0 =	sor.u32 s1, s0  }
0xc0: {  	s0 =	sadd.s32 $0x8F2B, s0  }
0xc1: {  	[sflag:s0] =	ssyncadd.remote.s32 $0x1  }
0xc2: {  	_ =	sfence.sel $0xFFFF  }
0xc3: {  	[dreg:$0x0] =	wrdreg $0xFFFFFFFF;
	(pc) =	sbr.abs _section_cstart, $3  }
0xc4: {  	[dreg:$0x1] =	wrdreg $0xFFFFFFFF  }
0xc5: {  	_ =	task.clear_ibuf [dreg:s9], $0x2FFFF;
	_ =	strace $0x9FFFFFFF  }
0xc6: {  	(tm) =	ssettm $0x7FFFFFFF  }
0xc7: {  	_ =	shalt  }
tec
execute0_lowered:
.L_overlay_start_1:
0x0: {  	(tag) =	ssettag $0x1  }
0x1: {  	s6 =	rddreg [dreg:$0x0]  }
0x2: {  	s0 =	srdreg.scid;
	s7 =	rddreg [dreg:$0x1]  }
0x3: {  	s4 =	stileid.u32;
	s30 =	rddreg [dreg:$0x2]  }
0x4: {  	s2 =	rddreg [dreg:$0x3];
	s3 =	simm.s32 $0x1;
	s8 =	simm.s32 $0x0  }
0x5: {  	s31 =	simm.s32 $0x5500;
	s0 =	sand.u32 $0x1, s0;
	s1 =	sshll.u32 s4, $0x1  }
0x6: {  	s21 =	simm.s32 $0x7C10;
	s22 =	simm.s32 $0xA320;
	s1 =	sor.u32 s0, s1  }
0x7: {  	[smem:$0x7FF] =	sst s8;
	p0 =	seq.s32 s0, $0x1;
	p1 =	seq.s32 s1, $0x0  }
0x8: {  	s29 =	sadd.s32 $0x50, s30;
	s0 =	ssub.s32 $0x2, s0;
	p1 =	por !p1, !p0  }
0x9: {  	_ =	strace $0x80000047;
	s1 =	smul.u32 $0x2710, s1;
	p1 =	por !p1, !p1  }
0xa: {  	[dreg:$0xa] =	wrdreg s29;
	s5 =	sshrl.u32 s0, $0x1;
	s3 =	simm.s32 @!p1 $0x0  }
0xb: {  	s0 =	ssub.s32 s0, s5;
	s1 =	sadd.s32 s1, s2;
	s3 =	ssub.s32 s4, s3  }
0xc: {  	s0 =	smax.u32 s0, $0x1;
	s4 =	simm.s32 $0x138800;
	s3 =	smul.u32 $0x271000, s3  }
0xd: {  	s1 =	sadd.s32 $0x1400, s1;
	[dreg:$0xc] =	wrdreg s0;
	s4 =	simm.s32 @!p0 $0x0  }
0xe: {  	s23 =	simm.s32 $0xCA30;
	[dreg:$0xb] =	wrdreg s1;
	s3 =	sadd.s32 s4, s3  }
0xf: {  	s28 =	simm.s32 $0x16670;
	s24 =	sshrl.u32 s3, $0x3;
	[dreg:$0x5] =	wrdreg s3  }
.Ltmp0:
0x10: {  	s3 =	sadd.s32 $0x1400, s3;
	s25 =	sadd.s32 s6, s24;
	(pc) =	sbr.rel .LBB2_1-.Ltmp0, $4  }
0x11: {  	s2 =	sadd.s32 s7, s24;
	s26 =	sshrl.u32 s3, $0x3;
	[dreg:$0x6] =	wrdreg s25  }
0x12: {  	s24 =	simm.s32 $0xF140;
	[dreg:$0x7] =	wrdreg s2;
	s3 =	sadd.s32 s6, s26  }
0x13: {  	s2 =	sadd.s32 s7, s26;
	s25 =	simm.s32 $0x11850;
	[dreg:$0x8] =	wrdreg s3  }
0x14: {  	v0 =	vimm.f32 $0.0e+00;
	s26 =	simm.s32 $0x13F60;
	[dreg:$0x9] =	wrdreg s2;
	s2 =	simm.s32 $0x0  }
.LBB2_10:
0x15: {  	s8 =	simm.s32 $0x0;
	s0 =	rddreg [dreg:$0xb];
	s1 =	simm.s32 $0x3  }
0x16: {  	[hbm4b:s0+s8] =	stream.linear.scatter [tilespmem:s31], [sflag:$0x3], $0x13880, $0x38;
	[tilespmem:$0x18D80] =	vst v63  }
0x17: {  	_ =	swait.ge [sflag:s1], $0x13880  }
0x18: {  	s2 =	rddreg [dreg:$0xd]  }
0x19: {  	s29 =	rddreg [dreg:$0xc];
	s2 =	sadd.s32 $0x1, s2  }
0x1a: {  	p0 =	sne.s32 s2, s29  }
.Ltmp1:
0x1b: {  	_ = 	snop;
	(pc) =	sbr.rel @!p0 .LBB2_11-.Ltmp1, $3  }
0x1c: {  	_ =	sdelay $0x1  }
0x1d: {  	[sflag:s1] =	ssyncset.done $0x0  }
0x1e: {  	[sflag:s1] =	ssyncadd.s32 $0xFFFEC780  }
.LBB2_1:
0x1f: {  	[dreg:$0xd] =	wrdreg s2  }
0x20: {  	s0 =	rddreg [dreg:$0x6]  }
0x21: {  	[tilespmem:s8], [sflag:$0x1] =	stream.linear.gather [hbm4b:s0+s8], $0x1400, $0x38;
	[tilespmem:$0x18D80] =	vst v63  }
0x22: {  	s15 =	rddreg [dreg:$0x7];
	s1 =	simm.s32 $0x2800  }
0x23: {  	[tilespmem:s1], [sflag:$0x1] =	stream.linear.gather [hbm4b:s15+s8], $0x1400, $0x38;
	[tilespmem:$0x18D80] =	vst v63  }
0x24: {  	s16 =	simm.s32 $0x5000;
	s17 =	rddreg [dreg:$0x8]  }
0x25: {  	[tilespmem:s16], [sflag:$0x1] =	stream.linear.gather [hbm4b:s30+s8], $0x280, $0x38;
	[tilespmem:$0x18D80] =	vst v63  }
0x26: {  	s18 =	simm.s32 $0x1400;
	s19 =	rddreg [dreg:$0x9]  }
0x27: {  	[tilespmem:s18], [sflag:$0x2] =	stream.linear.gather [hbm4b:s17+s8], $0x1400, $0x38;
	[tilespmem:$0x18D80] =	vst v63  }
0x28: {  	s20 =	simm.s32 $0x3C00;
	s29 =	rddreg [dreg:$0xa]  }
0x29: {  	[tilespmem:s20], [sflag:$0x2] =	stream.linear.gather [hbm4b:s19+s8], $0x1400, $0x38;
	[tilespmem:$0x18D80] =	vst v63  }
0x2a: {  	s0 =	simm.s32 $0x0;
	s1 =	simm.s32 $0x40;
	s30 =	simm.s32 $0x5280  }
0x2b: {  	[tilespmem:s30], [sflag:$0x2] =	stream.linear.gather [hbm4b:s29+s8], $0x280, $0x38;
	[tilespmem:$0x18D80] =	vst v63  }
.LBB2_2:
0x2c: {  	p0 =	sne.s32 s1, $0x9C00;
	[tilespmem:s0+$0x16670] =	vst v0  }
0x2d: {  	[tilespmem:s0+$0x5500] =	vst v0  }
0x2e: {  	[tilespmem:s0+$0x7C10] =	vst v0  }
.Ltmp2:
0x2f: {  	[tilespmem:s0+$0xA320] =	vst v0;
	(pc) =	sbr.rel @p0 .LBB2_2-.Ltmp2, $4  }
0x30: {  	[tilespmem:s0+$0xCA30] =	vst v0  }
0x31: {  	[tilespmem:s0+$0xF140] =	vst v0  }
0x32: {  	[tilespmem:s0+$0x11850] =	vst v0  }
0x33: {  	[tilespmem:s0+$0x13F60] =	vst v0;
	s0 =	sshra.s32 s1, $0x2;
	s1 =	sadd.s32 $0x40, s1  }
0x34: {  	[tilespmem:s0+$0x16670] =	vst v0  }
0x35: {  	[tilespmem:s0+$0x5500] =	vst v0  }
0x36: {  	[tilespmem:s0+$0x7C10] =	vst v0  }
0x37: {  	[tilespmem:s0+$0xA320] =	vst v0  }
0x38: {  	[tilespmem:s0+$0xCA30] =	vst v0  }
0x39: {  	[tilespmem:s0+$0xF140] =	vst v0  }
0x3a: {  	[tilespmem:s0+$0x11850] =	vst v0;
	s30 =	simm.s32 $0x0  }
0x3b: {  	[tilespmem:s0+$0x13F60] =	vst v0;
	[dreg:$0xe] =	wrdreg s30  }
.LBB2_4:
0x3c: {  	s0 =	simm.s32 $0x1  }
0x3d: {  	_ =	swait.ge [sflag:s0], $0x1400  }
0x3e: {  	[sflag:s0] =	ssyncset.done $0x0  }
0x3f: {  	[sflag:s0] =	ssyncadd.s32 $0xFFFFEC00  }
0x40: {  	_ =	swait.ge [sflag:s0], $0x1400  }
0x41: {  	[sflag:s0] =	ssyncset.done $0x0  }
0x42: {  	[sflag:s0] =	ssyncadd.s32 $0xFFFFEC00  }
0x43: {  	s2 =	simm.s32 $0x20;
	_ =	swait.ge [sflag:s0], $0x280  }
0x44: {  	s15 =	simm.s32 $0x5020;
	s9 =	simm.s32 $0x0;
	[sflag:s0] =	ssyncset.done $0x0  }
0x45: {  	s4 =	sand.u32 $0x1C00, s9;
	s29 =	sand.u32 $0x60, s2;
	[sflag:s0] =	ssyncadd.s32 $0xFFFFFD80  }
0x46: {  	s6 =	sor.u32 s4, s29;
	v4 =	vld [tilespmem:s15+$0x0]  }
0x47: {  	v1 =	vld [tilespmem:s6+$0x0]  }
0x48: {  	s0 =	simm.s32 $0x0;
	v2 =	vld [tilespmem:s6+$0x2800]  }
0x49: {  	s3 =	sand.u32 $0x40, s0  }
0x4a: {  	s1 =	simm.s32 $0x10;
	s5 =	sor.u32 s3, s4  }
0x4b: {  	s30 =	sand.u32 $0x50, s1;
	v5 =	vld [tilespmem:s5+$0x0]  }
0x4c: {  	s3 =	sor.u32 s4, s30;
	v6 =	vld [tilespmem:s5+$0x2800]  }
0x4d: {  	v7 =	vld [tilespmem:s3+$0x0];
	v1 =	vmul.f32 v2, v1  }
0x4e: {  	v2 =	vld [tilespmem:s15+$0xFFFFFFE0]  }
0x4f: {  	[tilespmem:v4+s31+$0x0] =	vst.idx.add.f32.msk $0xffff, v1  }
0x50: {  	v1 =	vld [tilespmem:s15+$0xFFFFFFF0]  }
0x51: {  	v9 =	vld [tilespmem:s6+$0x80]  }
0x52: {  	s8 =	simm.s32 $0x30;
	v10 =	vld [tilespmem:s6+$0x2880]  }
0x53: {  	s7 =	sand.u32 $0x70, s8;
	v8 =	vld [tilespmem:s3+$0x2800]  }
0x54: {  	v3 =	vld [tilespmem:s15+$0x10];
	s4 =	sor.u32 s4, s7  }
0x55: {  	v11 =	vld [tilespmem:s4+$0x0];
	v5 =	vmul.f32 v6, v5  }
0x56: {  	v12 =	vld [tilespmem:s4+$0x2800]  }
0x57: {  	[tilespmem:v2+s31+$0x0] =	vst.idx.add.f32.msk $0xffff, v5;
	v9 =	vmul.f32 v10, v9  }
0x58: {  	v7 =	vmul.f32 v8, v7;
	v5 =	vld [tilespmem:s5+$0x80]  }
0x59: {  	[tilespmem:v4+s21+$0x0] =	vst.idx.add.f32.msk $0xffff, v9  }
0x5a: {  	[tilespmem:v1+s31+$0x0] =	vst.idx.add.f32.msk $0xffff, v7  }
0x5b: {  	v6 =	vld [tilespmem:s6+$0x100]  }
0x5c: {  	v8 =	vld [tilespmem:s6+$0x2900]  }
0x5d: {  	v7 =	vld [tilespmem:s5+$0x2880]  }
0x5e: {  	v9 =	vmul.f32 v12, v11;
	_ =	sdelay $0x1  }
0x5f: {  	[tilespmem:v3+s31+$0x0] =	vst.idx.add.f32.msk $0xffff, v9  }
0x60: {  	v11 =	vld [tilespmem:s4+$0x2880];
	v6 =	vmul.f32 v8, v6  }
0x61: {  	v5 =	vmul.f32 v7, v5;
	v7 =	vld [tilespmem:s4+$0x80]  }
0x62: {  	[tilespmem:v4+s22+$0x0] =	vst.idx.add.f32.msk $0xffff, v6  }
0x63: {  	v6 =	vld [tilespmem:s6+$0x180]  }
0x64: {  	v9 =	vld [tilespmem:s6+$0x2980];
	_ =	sdelay $0x1  }
0x65: {  	v10 =	vld [tilespmem:s3+$0x2880]  }
0x66: {  	s7 =	sand.u32 $0x3, s9;
	v8 =	vld [tilespmem:s3+$0x80]  }
0x67: {  	[tilespmem:v2+s21+$0x0] =	vst.idx.add.f32.msk $0xffff, v5;
	s6 =	sshll.u32 s7, $0x5;
	v7 =	vmul.f32 v11, v7  }
0x68: {  	v5 =	vld [tilespmem:s5+$0x100];
	s6 =	sadd.s32 $0x0, s6;
	v6 =	vmul.f32 v9, v6  }
0x69: {  	s6 =	sadd.s32 $0x20, s6;
	[tilespmem:v3+s21+$0x0] =	vst.idx.add.f32.msk $0xffff, v7  }
0x6a: {  	s10 =	sor.u32 $0x200, s6;
	[tilespmem:v4+s23+$0x0] =	vst.idx.add.f32.msk $0xffff, v6  }
0x6b: {  	v6 =	vmul.f32 v10, v8;
	v8 =	vld [tilespmem:s10+$0x0]  }
0x6c: {  	v10 =	vld [tilespmem:s10+$0x2800]  }
0x6d: {  	v11 =	vld [tilespmem:s4+$0x2900]  }
0x6e: {  	v9 =	vld [tilespmem:s5+$0x2900]  }
0x6f: {  	[tilespmem:v1+s21+$0x0] =	vst.idx.add.f32.msk $0xffff, v6  }
0x70: {  	v6 =	vld [tilespmem:s3+$0x100]  }
0x71: {  	v7 =	vld [tilespmem:s3+$0x2900];
	v8 =	vmul.f32 v10, v8  }
0x72: {  	v10 =	vld [tilespmem:s4+$0x100]  }
0x73: {  	s11 =	sor.u32 $0x280, s6;
	[tilespmem:v4+s24+$0x0] =	vst.idx.add.f32.msk $0xffff, v8  }
0x74: {  	v5 =	vmul.f32 v9, v5;
	v8 =	vld [tilespmem:s11+$0x0]  }
0x75: {  	v63 =	vld [tilespmem:s11+$0x2800]  }
0x76: {  	[tilespmem:v2+s22+$0x0] =	vst.idx.add.f32.msk $0xffff, v5  }
0x77: {  	v5 =	vmul.f32 v7, v6;
	v6 =	vld [tilespmem:s5+$0x180]  }
0x78: {  	v7 =	vld [tilespmem:s5+$0x2980]  }
0x79: {  	[tilespmem:v1+s22+$0x0] =	vst.idx.add.f32.msk $0xffff, v5;
	v9 =	vmul.f32 v11, v10  }
0x7a: {  	v10 =	vld [tilespmem:s3+$0x2980];
	v5 =	vmul.f32 v63, v8  }
0x7b: {  	[tilespmem:v3+s22+$0x0] =	vst.idx.add.f32.msk $0xffff, v9  }
0x7c: {  	s12 =	sor.u32 $0x300, s6;
	[tilespmem:v4+s25+$0x0] =	vst.idx.add.f32.msk $0xffff, v5  }
0x7d: {  	v5 =	vld [tilespmem:s12+$0x0]  }
0x7e: {  	p0 =	por $0x0, $0x0;
	s5 =	simm.s32 $0x1;
	v8 =	vld [tilespmem:s12+$0x2800]  }
0x7f: {  	s5 =	simm.s32 @!p0 $0x0;
	v9 =	vld [tilespmem:s3+$0x180]  }
0x80: {  	s13 =	sshll.u32 s5, $0x6;
	v6 =	vmul.f32 v7, v6;
	v7 =	vld [tilespmem:s4+$0x180]  }
0x81: {  	s3 =	sadd.s32 $0x0, s13;
	v11 =	vld [tilespmem:s4+$0x2980]  }
0x82: {  	s14 =	sor.u32 $0x200, s3;
	[tilespmem:v2+s23+$0x0] =	vst.idx.add.f32.msk $0xffff, v6  }
0x83: {  	v6 =	vld [tilespmem:s14+$0x0];
	v5 =	vmul.f32 v8, v5  }
0x84: {  	s16 =	sand.u32 $0x7, s9;
	s2 =	sor.u32 s2, s9;
	v8 =	vld [tilespmem:s14+$0x2800]  }
0x85: {  	s17 =	sshll.u32 s16, $0x4;
	s2 =	sor.u32 $0x380, s2;
	[tilespmem:v4+s26+$0x0] =	vst.idx.add.f32.msk $0xffff, v5  }
0x86: {  	s4 =	sadd.s32 $0x0, s17;
	v5 =	vmul.f32 v10, v9;
	v9 =	vld [tilespmem:s2+$0x0]  }
0x87: {  	s18 =	sadd.s32 $0x10, s4;
	v10 =	vld [tilespmem:s2+$0x2800]  }
0x88: {  	s19 =	sor.u32 $0x200, s18;
	[tilespmem:v1+s23+$0x0] =	vst.idx.add.f32.msk $0xffff, v5  }
0x89: {  	v5 =	vmul.f32 v11, v7;
	v7 =	vld [tilespmem:s19+$0x0]  }
0x8a: {  	s4 =	sadd.s32 $0x30, s4;
	v11 =	vld [tilespmem:s19+$0x2800]  }
0x8b: {  	s20 =	sor.u32 $0x200, s4;
	[tilespmem:v3+s23+$0x0] =	vst.idx.add.f32.msk $0xffff, v5  }
0x8c: {  	v5 =	vmul.f32 v8, v6;
	v6 =	vld [tilespmem:s20+$0x0]  }
0x8d: {  	v8 =	vld [tilespmem:s20+$0x2800]  }
0x8e: {  	s21 =	sor.u32 $0x280, s3;
	[tilespmem:v2+s24+$0x0] =	vst.idx.add.f32.msk $0xffff, v5  }
0x8f: {  	v5 =	vld [tilespmem:s21+$0x0];
	v7 =	vmul.f32 v11, v7  }
0x90: {  	v11 =	vld [tilespmem:s21+$0x2800]  }
0x91: {  	s22 =	sor.u32 $0x280, s18;
	[tilespmem:v1+s24+$0x0] =	vst.idx.add.f32.msk $0xffff, v7  }
0x92: {  	v6 =	vmul.f32 v8, v6;
	v7 =	vld [tilespmem:s22+$0x0]  }
0x93: {  	v8 =	vld [tilespmem:s22+$0x2800]  }
0x94: {  	s23 =	sor.u32 $0x280, s4;
	[tilespmem:v3+s24+$0x0] =	vst.idx.add.f32.msk $0xffff, v6  }
0x95: {  	v6 =	vmul.f32 v10, v9;
	v9 =	vld [tilespmem:s23+$0x0]  }
0x96: {  	v5 =	vmul.f32 v11, v5;
	v10 =	vld [tilespmem:s23+$0x2800]  }
0x97: {  	[tilespmem:v4+s28+$0x0] =	vst.idx.add.f32.msk $0xffff, v6  }
0x98: {  	s28 =	sor.u32 $0x300, s3;
	[tilespmem:v2+s25+$0x0] =	vst.idx.add.f32.msk $0xffff, v5  }
0x99: {  	v4 =	vld [tilespmem:s28+$0x0];
	v5 =	vmul.f32 v8, v7  }
0x9a: {  	v6 =	vld [tilespmem:s28+$0x2800]  }
0x9b: {  	s29 =	sor.u32 $0x300, s18;
	[tilespmem:v1+s25+$0x0] =	vst.idx.add.f32.msk $0xffff, v5  }
0x9c: {  	v5 =	vmul.f32 v10, v9;
	v7 =	vld [tilespmem:s29+$0x0]  }
0x9d: {  	v10 =	vld [tilespmem:s29+$0x2800]  }
0x9e: {  	s1 =	sor.u32 s1, s9;
	s30 =	sor.u32 $0x300, s4;
	[tilespmem:v3+s25+$0x0] =	vst.idx.add.f32.msk $0xffff, v5  }
0x9f: {  	s16 =	simm.s32 $0x0;
	s0 =	sor.u32 s0, s9;
	s31 =	sor.u32 s8, s9;
	v4 =	vmul.f32 v6, v4;
	v8 =	vld [tilespmem:s30+$0x0]  }
0xa0: {  	s0 =	sor.u32 $0x380, s0;
	s9 =	sor.u32 $0x380, s31;
	s10 =	simm.s32 $0x4;
	v9 =	vld [tilespmem:s30+$0x2800]  }
0xa1: {  	p0 =	por !p0, !p0;
	s11 =	simm.s32 $0x0;
	s13 =	sor.u32 $0x380, s1;
	[tilespmem:v2+s26+$0x0] =	vst.idx.add.f32.msk $0xffff, v4  }
0xa2: {  	s12 =	simm.s32 $0x0;
	s21 =	simm.s32 $0x5500;
	s22 =	simm.s32 $0x7C10;
	v5 =	vld [tilespmem:s0+$0x0]  }
0xa3: {  	s24 =	simm.s32 $0xCA30;
	s23 =	simm.s32 $0xA320;
	s25 =	simm.s32 $0xF140;
	v6 =	vld [tilespmem:s0+$0x2800];
	v10 =	vmul.f32 v10, v7;
	v4 =	vmov v3  }
.LBB2_5:
0xa4: {  	s0 =	simm.s32 $0x1;
	s28 =	simm.s32 $0x13F60  }
0xa5: {  	s1 =	sand.u32 $0x7, s10;
	v7 =	vmul.f32 v9, v8;
	s0 =	simm.s32 @!p0 $0x0;
	[tilespmem:v1+s28+$0x0] =	vst.idx.add.f32.msk $0xffff, v10  }
0xa6: {  	s8 =	sadd.s32 $0x40, s8;
	s3 =	sshll.u32 s1, $0x4;
	s2 =	sshll.u32 s0, $0x6;
	v8 =	vld [tilespmem:s13+$0x0]  }
0xa7: {  	s11 =	sadd.s32 $0x200, s11;
	s30 =	sadd.s32 $0xFFFFFFD0, s8;
	s1 =	sadd.s32 $0xFFFFFFF0, s8;
	[tilespmem:v3+s28+$0x0] =	vst.idx.add.f32.msk $0xffff, v7  }
0xa8: {  	s15 =	sadd.s32 $0x40, s15;
	s4 =	sand.u32 $0x1C00, s11;
	s0 =	sand.u32 $0x60, s1;
	v7 =	vmul.f32 v6, v5;
	v3 =	vld [tilespmem:s13+$0x2800]  }
0xa9: {  	s5 =	sand.u32 $0x40, s30;
	s29 =	sor.u32 s4, s0;
	s13 =	sadd.s32 $0xFFFFFFE0, s8;
	v6 =	vld [tilespmem:s15+$0x0]  }
0xaa: {  	s7 =	sor.u32 s5, s4;
	s5 =	sand.u32 $0x70, s8;
	s0 =	sand.u32 $0x50, s13;
	v9 =	vld [tilespmem:s29+$0x0]  }
0xab: {  	s3 =	sadd.s32 s3, s11;
	s6 =	sor.u32 s4, s5;
	s0 =	sor.u32 s4, s0;
	v10 =	vld [tilespmem:s29+$0x2800]  }
0xac: {  	s18 =	sadd.s32 s2, s11;
	s14 =	sadd.s32 $0x10, s3;
	s20 =	sadd.s32 $0x30, s3;
	v11 =	vld [tilespmem:s7+$0x0]  }
0xad: {  	s3 =	sor.u32 $0x200, s18;
	s5 =	sor.u32 $0x200, s14;
	s4 =	sor.u32 $0x200, s20;
	v12 =	vld [tilespmem:s7+$0x2800];
	v5 =	vmul.f32 v3, v8  }
0xae: {  	s2 =	sor.u32 $0x280, s18;
	s19 =	sor.u32 $0x280, s14;
	s17 =	sor.u32 $0x280, s20;
	v3 =	vld [tilespmem:s0+$0x0]  }
0xaf: {  	s16 =	sadd.s32 $0x4, s16;
	s31 =	sor.u32 $0x300, s14;
	s14 =	sor.u32 $0x300, s20;
	v8 =	vld [tilespmem:s0+$0x2800]  }
0xb0: {  	p1 =	slt.u32 s16, $0x24;
	s18 =	sor.u32 $0x300, s18;
	s20 =	sor.u32 s30, s11;
	v9 =	vmul.f32 v10, v9;
	v10 =	vld [tilespmem:s6+$0x0]  }
0xb1: {  	s13 =	sor.u32 s13, s11;
	s30 =	sor.u32 $0x380, s20;
	s20 =	sor.u32 s8, s11;
	v13 =	vld [tilespmem:s6+$0x2800]  }
0xb2: {  	s13 =	sor.u32 $0x380, s13;
	s20 =	sor.u32 $0x380, s20;
	v11 =	vmul.f32 v12, v11;
	[tilespmem:v6+s21+$0x0] =	vst.idx.add.f32.msk $0xffff, v9  }
0xb3: {  	v9 =	vld [tilespmem:s29+$0x80]  }
0xb4: {  	v12 =	vmul.f32 v8, v3;
	v14 =	vld [tilespmem:s29+$0x2880]  }
0xb5: {  	v15 =	vld [tilespmem:s15+$0xFFFFFFE0]  }
0xb6: {  	v8 =	vld [tilespmem:s15+$0xFFFFFFF0];
	v10 =	vmul.f32 v13, v10  }
0xb7: {  	v3 =	vld [tilespmem:s15+$0x10]  }
0xb8: {  	v13 =	vld [tilespmem:s9+$0x0]  }
0xb9: {  	s26 =	simm.s32 $0x16670;
	v9 =	vmul.f32 v14, v9;
	v14 =	vld [tilespmem:s9+$0x2800];
	s9 =	smov.u32 s20  }
0xba: {  	[tilespmem:v2+s26+$0x0] =	vst.idx.add.f32.msk $0xffff, v7;
	v2 =	vmov v15  }
0xbb: {  	[tilespmem:v6+s22+$0x0] =	vst.idx.add.f32.msk $0xffff, v9  }
0xbc: {  	v9 =	vld [tilespmem:s29+$0x100]  }
0xbd: {  	v16 =	vld [tilespmem:s29+$0x2900]  }
0xbe: {  	[tilespmem:v15+s21+$0x0] =	vst.idx.add.f32.msk $0xffff, v11;
	v7 =	vmul.f32 v14, v13  }
0xbf: {  	[tilespmem:v8+s21+$0x0] =	vst.idx.add.f32.msk $0xffff, v12  }
0xc0: {  	[tilespmem:v3+s21+$0x0] =	vst.idx.add.f32.msk $0xffff, v10  }
0xc1: {  	v10 =	vld [tilespmem:s7+$0x80]  }
0xc2: {  	v11 =	vld [tilespmem:s7+$0x2880];
	v9 =	vmul.f32 v16, v9  }
0xc3: {  	v12 =	vld [tilespmem:s0+$0x80]  }
0xc4: {  	[tilespmem:v6+s23+$0x0] =	vst.idx.add.f32.msk $0xffff, v9  }
0xc5: {  	v9 =	vld [tilespmem:s29+$0x180]  }
0xc6: {  	v13 =	vld [tilespmem:s29+$0x2980]  }
0xc7: {  	v10 =	vmul.f32 v11, v10;
	v11 =	vld [tilespmem:s0+$0x2880]  }
0xc8: {  	s12 =	sadd.s32 $0x2, s12;
	v14 =	vld [tilespmem:s6+$0x80]  }
0xc9: {  	s20 =	sand.u32 $0x3, s12;
	v15 =	vld [tilespmem:s6+$0x2880]  }
0xca: {  	s20 =	sshll.u32 s20, $0x5;
	[tilespmem:v2+s22+$0x0] =	vst.idx.add.f32.msk $0xffff, v10  }
0xcb: {  	s20 =	sadd.s32 s11, s20;
	v10 =	vld [tilespmem:s7+$0x100];
	v9 =	vmul.f32 v13, v9  }
0xcc: {  	s20 =	sadd.s32 $0x20, s20;
	v13 =	vld [tilespmem:s7+$0x2900];
	v11 =	vmul.f32 v11, v12  }
0xcd: {  	s29 =	sor.u32 $0x200, s20;
	[tilespmem:v6+s24+$0x0] =	vst.idx.add.f32.msk $0xffff, v9  }
0xce: {  	v9 =	vld [tilespmem:s29+$0x0];
	v12 =	vmul.f32 v15, v14  }
0xcf: {  	v14 =	vld [tilespmem:s29+$0x2800]  }
0xd0: {  	[tilespmem:v8+s22+$0x0] =	vst.idx.add.f32.msk $0xffff, v11  }
0xd1: {  	v10 =	vmul.f32 v13, v10;
	[tilespmem:v3+s22+$0x0] =	vst.idx.add.f32.msk $0xffff, v12  }
0xd2: {  	v11 =	vld [tilespmem:s0+$0x100]  }
0xd3: {  	v12 =	vld [tilespmem:s0+$0x2900]  }
0xd4: {  	v9 =	vmul.f32 v14, v9;
	v13 =	vld [tilespmem:s6+$0x100]  }
0xd5: {  	v14 =	vld [tilespmem:s6+$0x2900]  }
0xd6: {  	s29 =	sor.u32 $0x280, s20;
	[tilespmem:v6+s25+$0x0] =	vst.idx.add.f32.msk $0xffff, v9  }
0xd7: {  	v9 =	vld [tilespmem:s29+$0x0]  }
0xd8: {  	v11 =	vmul.f32 v12, v11;
	v12 =	vld [tilespmem:s29+$0x2800]  }
0xd9: {  	[tilespmem:v2+s23+$0x0] =	vst.idx.add.f32.msk $0xffff, v10  }
0xda: {  	[tilespmem:v8+s23+$0x0] =	vst.idx.add.f32.msk $0xffff, v11;
	v10 =	vmul.f32 v14, v13  }
0xdb: {  	v11 =	vld [tilespmem:s7+$0x180]  }
0xdc: {  	[tilespmem:v3+s23+$0x0] =	vst.idx.add.f32.msk $0xffff, v10  }
0xdd: {  	v10 =	vld [tilespmem:s7+$0x2980];
	v9 =	vmul.f32 v12, v9  }
0xde: {  	s29 =	simm.s32 $0x11850;
	v12 =	vld [tilespmem:s0+$0x180]  }
0xdf: {  	s7 =	sor.u32 $0x300, s20;
	[tilespmem:v6+s29+$0x0] =	vst.idx.add.f32.msk $0xffff, v9  }
0xe0: {  	v9 =	vld [tilespmem:s7+$0x0]  }
0xe1: {  	v13 =	vld [tilespmem:s7+$0x2800]  }
0xe2: {  	v10 =	vmul.f32 v10, v11;
	v11 =	vld [tilespmem:s0+$0x2980]  }
0xe3: {  	v14 =	vld [tilespmem:s6+$0x180]  }
0xe4: {  	v15 =	vld [tilespmem:s6+$0x2980]  }
0xe5: {  	[tilespmem:v2+s24+$0x0] =	vst.idx.add.f32.msk $0xffff, v10  }
0xe6: {  	v10 =	vld [tilespmem:s3+$0x0];
	v9 =	vmul.f32 v13, v9  }
0xe7: {  	s0 =	sor.u32 s1, s11;
	v13 =	vld [tilespmem:s3+$0x2800];
	v11 =	vmul.f32 v11, v12  }
0xe8: {  	s0 =	sor.u32 $0x380, s0;
	[tilespmem:v6+s28+$0x0] =	vst.idx.add.f32.msk $0xffff, v9  }
0xe9: {  	v9 =	vld [tilespmem:s0+$0x0];
	v12 =	vmul.f32 v15, v14  }
0xea: {  	v14 =	vld [tilespmem:s0+$0x2800]  }
0xeb: {  	[tilespmem:v8+s24+$0x0] =	vst.idx.add.f32.msk $0xffff, v11  }
0xec: {  	v10 =	vmul.f32 v13, v10;
	[tilespmem:v3+s24+$0x0] =	vst.idx.add.f32.msk $0xffff, v12  }
0xed: {  	v11 =	vld [tilespmem:s5+$0x0]  }
0xee: {  	v12 =	vld [tilespmem:s5+$0x2800]  }
0xef: {  	v9 =	vmul.f32 v14, v9;
	v13 =	vld [tilespmem:s4+$0x0]  }
0xf0: {  	v14 =	vld [tilespmem:s4+$0x2800]  }
0xf1: {  	[tilespmem:v6+s26+$0x0] =	vst.idx.add.f32.msk $0xffff, v9  }
0xf2: {  	[tilespmem:v2+s25+$0x0] =	vst.idx.add.f32.msk $0xffff, v10  }
0xf3: {  	v6 =	vld [tilespmem:s2+$0x0];
	v9 =	vmul.f32 v12, v11  }
0xf4: {  	v10 =	vld [tilespmem:s2+$0x2800]  }
0xf5: {  	[tilespmem:v8+s25+$0x0] =	vst.idx.add.f32.msk $0xffff, v9;
	v9 =	vmul.f32 v14, v13  }
0xf6: {  	v11 =	vld [tilespmem:s19+$0x0]  }
0xf7: {  	[tilespmem:v3+s25+$0x0] =	vst.idx.add.f32.msk $0xffff, v9  }
0xf8: {  	v9 =	vld [tilespmem:s19+$0x2800]  }
0xf9: {  	v6 =	vmul.f32 v10, v6;
	v10 =	vld [tilespmem:s17+$0x0]  }
0xfa: {  	v12 =	vld [tilespmem:s17+$0x2800]  }
0xfb: {  	[tilespmem:v2+s29+$0x0] =	vst.idx.add.f32.msk $0xffff, v6  }
0xfc: {  	v6 =	vld [tilespmem:s18+$0x0]  }
0xfd: {  	v13 =	vld [tilespmem:s18+$0x2800];
	v9 =	vmul.f32 v9, v11  }
0xfe: {  	[tilespmem:v1+s26+$0x0] =	vst.idx.add.f32.msk $0xffff, v5;
	v1 =	vmov v8  }
0xff: {  	[tilespmem:v8+s29+$0x0] =	vst.idx.add.f32.msk $0xffff, v9;
	v5 =	vmul.f32 v12, v10  }
0x100: {  	v10 =	vld [tilespmem:s31+$0x0]  }
0x101: {  	[tilespmem:v3+s29+$0x0] =	vst.idx.add.f32.msk $0xffff, v5  }
0x102: {  	v5 =	vmul.f32 v13, v6;
	v11 =	vld [tilespmem:s31+$0x2800]  }
0x103: {  	v8 =	vld [tilespmem:s14+$0x0]  }
.Ltmp3:
0x104: {  	v9 =	vld [tilespmem:s14+$0x2800];
	(pc) =	sbr.rel @p1 .LBB2_5-.Ltmp3, $4  }
0x105: {  	[tilespmem:v2+s28+$0x0] =	vst.idx.add.f32.msk $0xffff, v5  }
0x106: {  	v5 =	vld [tilespmem:s30+$0x0]  }
0x107: {  	v6 =	vld [tilespmem:s30+$0x2800];
	v10 =	vmul.f32 v11, v10  }
0x108: {  	s10 =	sadd.s32 $0x4, s10;
	p0 =	por !p0, !p0;
	[tilespmem:v4+s26+$0x0] =	vst.idx.add.f32.msk $0xffff, v7;
	v4 =	vmov v3  }
0x109: {  	_ =	sdelay $0x2  }
0x10a: {  	s11 =	simm.s32 $0x13F60  }
0x10b: {  	v7 =	vmul.f32 v9, v8;
	[tilespmem:v1+s11+$0x0] =	vst.idx.add.f32.msk $0xffff, v10  }
0x10c: {  	v8 =	vld [tilespmem:s13+$0x0]  }
0x10d: {  	[tilespmem:v3+s11+$0x0] =	vst.idx.add.f32.msk $0xffff, v7  }
0x10e: {  	v3 =	vld [tilespmem:s13+$0x2800]  }
0x10f: {  	v7 =	vld [tilespmem:s9+$0x0]  }
0x110: {  	v9 =	vld [tilespmem:s9+$0x2800];
	s0 =	rddreg [dreg:$0xe]  }
0x111: {  	v5 =	vmul.f32 v6, v5;
	s15 =	sshll.u32 s0, $0x1;
	p0 =	seq.s32 s0, $0x7C  }
0x112: {  	s12 =	simm.s32 $0x16670;
	s0 =	sadd.s32 @!p0 $0x2, s15  }
0x113: {  	[tilespmem:v2+s12+$0x0] =	vst.idx.add.f32.msk $0xffff, v5;
	s1 =	smul.u32 @!p0 $0x1400, s0  }
0x114: {  	s2 =	rddreg [dreg:$0x5];
	v3 =	vmul.f32 v3, v8  }
0x115: {  	v2 =	vmul.f32 v9, v7;
	s1 =	sadd.s32 @!p0 s2, s1  }
0x116: {  	s2 =	rddreg [dreg:$0x0];
	[tilespmem:v1+s12+$0x0] =	vst.idx.add.f32.msk $0xffff, v3;
	s1 =	sshrl.u32 @!p0 s1, $0x3  }
0x117: {  	s30 =	rddreg [dreg:$0x2];
	s3 =	simm.s32 @!p0 $0x0;
	[tilespmem:v4+s12+$0x0] =	vst.idx.add.f32.msk $0xffff, v2;
	s2 =	sadd.s32 @!p0 s2, s1  }
0x118: {  	[tilespmem:s3], [sflag:$0x1] =	stream.linear.gather @!p0 [hbm4b:s2+s3], $0x1400, $0x38;
	[tilespmem:$0x18D80] =	vst v63  }
0x119: {  	s2 =	rddreg [dreg:$0x1]  }
0x11a: {  	s0 =	smul.u32 @!p0 $0x50, s0;
	s1 =	sadd.s32 @!p0 s2, s1;
	s2 =	simm.s32 @!p0 $0x2800  }
0x11b: {  	[tilespmem:s2], [sflag:$0x1] =	stream.linear.gather @!p0 [hbm4b:s1+s3], $0x1400, $0x38;
	[tilespmem:$0x18D80] =	vst v63  }
0x11c: {  	s26 =	simm.s32 $0x2;
	s0 =	sadd.s32 @!p0 s30, s0;
	s1 =	simm.s32 @!p0 $0x5000  }
0x11d: {  	[tilespmem:s1], [sflag:$0x1] =	stream.linear.gather @!p0 [hbm4b:s0+s3], $0x280, $0x38;
	[tilespmem:$0x18D80] =	vst v63  }
0x11e: {  	_ =	swait.ge [sflag:s26], $0x1400  }
0x11f: {  	[sflag:s26] =	ssyncset.done $0x0  }
0x120: {  	[sflag:s26] =	ssyncadd.s32 $0xFFFFEC00  }
0x121: {  	_ =	swait.ge [sflag:s26], $0x1400  }
0x122: {  	[sflag:s26] =	ssyncset.done $0x0  }
0x123: {  	[sflag:s26] =	ssyncadd.s32 $0xFFFFEC00  }
0x124: {  	s29 =	simm.s32 $0x0;
	s16 =	simm.s32 $0x30;
	_ =	swait.ge [sflag:s26], $0x280  }
0x125: {  	s8 =	simm.s32 $0x52B0;
	s3 =	sand.u32 $0x1C00, s29;
	[sflag:s26] =	ssyncset.done $0x0  }
0x126: {  	s4 =	sand.u32 $0x70, s16;
	s5 =	sadd.s32 $0x1400, s3;
	[sflag:s26] =	ssyncadd.s32 $0xFFFFFD80  }
0x127: {  	s1 =	sor.u32 s4, s5;
	v4 =	vld [tilespmem:s8+$0x0]  }
0x128: {  	v1 =	vld [tilespmem:s1+$0x0]  }
0x129: {  	v2 =	vld [tilespmem:s1+$0x2800];
	_ =	sdelay $0x4  }
0x12a: {  	v1 =	vmul.f32 v2, v1  }
0x12b: {  	s6 =	sadd.s32 $0x1480, s3  }
0x12c: {  	s2 =	sor.u32 s4, s6;
	[tilespmem:v4+s21+$0x0] =	vst.idx.add.f32.msk $0xffff, v1  }
0x12d: {  	v1 =	vld [tilespmem:s2+$0x0]  }
0x12e: {  	s9 =	simm.s32 $0x10;
	v2 =	vld [tilespmem:s2+$0x2800]  }
0x12f: {  	s7 =	simm.s32 $0x0;
	s0 =	sand.u32 $0x50, s9  }
0x130: {  	s1 =	sand.u32 $0x40, s7;
	s7 =	sor.u32 s0, s5  }
0x131: {  	v7 =	vld [tilespmem:s7+$0x0]  }
0x132: {  	s10 =	sor.u32 s1, s5;
	v8 =	vld [tilespmem:s7+$0x2800]  }
0x133: {  	v5 =	vld [tilespmem:s10+$0x0];
	v2 =	vmul.f32 v2, v1  }
0x134: {  	v1 =	vld [tilespmem:s8+$0xFFFFFFE0]  }
0x135: {  	s13 =	sadd.s32 $0x1500, s3;
	[tilespmem:v4+s22+$0x0] =	vst.idx.add.f32.msk $0xffff, v2  }
0x136: {  	s17 =	sor.u32 s4, s13;
	v2 =	vld [tilespmem:s8+$0xFFFFFFD0]  }
0x137: {  	v9 =	vld [tilespmem:s17+$0x0]  }
0x138: {  	s14 =	simm.s32 $0x20;
	v10 =	vld [tilespmem:s17+$0x2800]  }
0x139: {  	v6 =	vld [tilespmem:s10+$0x2800];
	s2 =	sand.u32 $0x60, s14  }
0x13a: {  	v3 =	vld [tilespmem:s8+$0xFFFFFFF0];
	s5 =	sor.u32 s2, s5  }
0x13b: {  	v11 =	vld [tilespmem:s5+$0x0]  }
0x13c: {  	v7 =	vmul.f32 v8, v7;
	v8 =	vld [tilespmem:s5+$0x2800]  }
0x13d: {  	v9 =	vmul.f32 v10, v9  }
0x13e: {  	v5 =	vmul.f32 v6, v5;
	[tilespmem:v1+s21+$0x0] =	vst.idx.add.f32.msk $0xffff, v7  }
0x13f: {  	s9 =	sadd.s32 $0x1580, s3;
	[tilespmem:v4+s23+$0x0] =	vst.idx.add.f32.msk $0xffff, v9  }
0x140: {  	s18 =	sor.u32 s4, s9;
	[tilespmem:v2+s21+$0x0] =	vst.idx.add.f32.msk $0xffff, v5  }
0x141: {  	v7 =	vmul.f32 v8, v11;
	v6 =	vld [tilespmem:s18+$0x0]  }
0x142: {  	v8 =	vld [tilespmem:s18+$0x2800]  }
0x143: {  	s10 =	sor.u32 s0, s6;
	[tilespmem:v3+s21+$0x0] =	vst.idx.add.f32.msk $0xffff, v7  }
0x144: {  	s19 =	sor.u32 s1, s6;
	v9 =	vld [tilespmem:s10+$0x0]  }
0x145: {  	v5 =	vld [tilespmem:s19+$0x0]  }
0x146: {  	s6 =	sor.u32 s2, s6;
	v7 =	vld [tilespmem:s19+$0x2800]  }
0x147: {  	v11 =	vld [tilespmem:s6+$0x2800];
	v6 =	vmul.f32 v8, v6  }
0x148: {  	s5 =	sadd.s32 $0x1600, s3;
	v8 =	vld [tilespmem:s10+$0x2800]  }
0x149: {  	s20 =	sor.u32 s4, s5;
	[tilespmem:v4+s24+$0x0] =	vst.idx.add.f32.msk $0xffff, v6  }
0x14a: {  	v6 =	vld [tilespmem:s20+$0x0]  }
0x14b: {  	v5 =	vmul.f32 v7, v5;
	v10 =	vld [tilespmem:s20+$0x2800]  }
0x14c: {  	v7 =	vld [tilespmem:s6+$0x0]  }
0x14d: {  	s21 =	sor.u32 s1, s13;
	[tilespmem:v2+s22+$0x0] =	vst.idx.add.f32.msk $0xffff, v5  }
0x14e: {  	v5 =	vld [tilespmem:s21+$0x0];
	v8 =	vmul.f32 v8, v9  }
0x14f: {  	v9 =	vld [tilespmem:s21+$0x2800]  }
0x150: {  	s29 =	sor.u32 s0, s13;
	[tilespmem:v1+s22+$0x0] =	vst.idx.add.f32.msk $0xffff, v8;
	v6 =	vmul.f32 v10, v6  }
0x151: {  	s6 =	sadd.s32 $0x1680, s3;
	v10 =	vld [tilespmem:s29+$0x2800]  }
0x152: {  	s26 =	sor.u32 s4, s6;
	[tilespmem:v4+s25+$0x0] =	vst.idx.add.f32.msk $0xffff, v6  }
0x153: {  	v6 =	vmul.f32 v11, v7;
	v7 =	vld [tilespmem:s26+$0x0]  }
0x154: {  	v8 =	vld [tilespmem:s26+$0x2800]  }
0x155: {  	v5 =	vmul.f32 v9, v5;
	[tilespmem:v3+s22+$0x0] =	vst.idx.add.f32.msk $0xffff, v6  }
0x156: {  	v6 =	vld [tilespmem:s29+$0x0]  }
0x157: {  	s7 =	sor.u32 s2, s13;
	[tilespmem:v2+s23+$0x0] =	vst.idx.add.f32.msk $0xffff, v5  }
0x158: {  	v9 =	vld [tilespmem:s7+$0x0]  }
0x159: {  	s10 =	sor.u32 s1, s9;
	v11 =	vld [tilespmem:s7+$0x2800]  }
0x15a: {  	v5 =	vld [tilespmem:s10+$0x0];
	v7 =	vmul.f32 v8, v7  }
0x15b: {  	s14 =	simm.s32 $0x11850;
	s13 =	sadd.s32 $0x1700, s3;
	v8 =	vld [tilespmem:s10+$0x2800]  }
0x15c: {  	s17 =	sor.u32 s4, s13;
	[tilespmem:v4+s14+$0x0] =	vst.idx.add.f32.msk $0xffff, v7  }
0x15d: {  	v6 =	vmul.f32 v10, v6;
	v7 =	vld [tilespmem:s17+$0x0]  }
0x15e: {  	v10 =	vld [tilespmem:s17+$0x2800]  }
0x15f: {  	s18 =	sor.u32 s0, s9;
	[tilespmem:v1+s23+$0x0] =	vst.idx.add.f32.msk $0xffff, v6  }
0x160: {  	v6 =	vmul.f32 v11, v9;
	v9 =	vld [tilespmem:s18+$0x0]  }
0x161: {  	v11 =	vld [tilespmem:s18+$0x2800]  }
0x162: {  	s9 =	sor.u32 s2, s9;
	[tilespmem:v3+s23+$0x0] =	vst.idx.add.f32.msk $0xffff, v6  }
0x163: {  	v5 =	vmul.f32 v8, v5;
	v6 =	vld [tilespmem:s9+$0x0]  }
0x164: {  	v8 =	vld [tilespmem:s9+$0x2800]  }
0x165: {  	s19 =	sor.u32 s1, s5;
	[tilespmem:v2+s24+$0x0] =	vst.idx.add.f32.msk $0xffff, v5  }
0x166: {  	v5 =	vld [tilespmem:s19+$0x0];
	v7 =	vmul.f32 v10, v7  }
0x167: {  	s3 =	sadd.s32 $0x1780, s3;
	v10 =	vld [tilespmem:s19+$0x2800]  }
0x168: {  	s4 =	sor.u32 s4, s3;
	[tilespmem:v4+s11+$0x0] =	vst.idx.add.f32.msk $0xffff, v7  }
0x169: {  	v7 =	vmul.f32 v11, v9;
	v9 =	vld [tilespmem:s4+$0x0]  }
0x16a: {  	v11 =	vld [tilespmem:s4+$0x2800]  }
0x16b: {  	s20 =	sor.u32 s0, s5;
	[tilespmem:v1+s24+$0x0] =	vst.idx.add.f32.msk $0xffff, v7  }
0x16c: {  	v6 =	vmul.f32 v8, v6;
	v7 =	vld [tilespmem:s20+$0x0]  }
0x16d: {  	v8 =	vld [tilespmem:s20+$0x2800]  }
0x16e: {  	s21 =	sor.u32 s2, s5;
	[tilespmem:v3+s24+$0x0] =	vst.idx.add.f32.msk $0xffff, v6  }
0x16f: {  	v5 =	vmul.f32 v10, v5;
	v6 =	vld [tilespmem:s21+$0x0]  }
0x170: {  	v10 =	vld [tilespmem:s21+$0x2800]  }
0x171: {  	s22 =	sor.u32 s1, s6;
	[tilespmem:v2+s25+$0x0] =	vst.idx.add.f32.msk $0xffff, v5  }
0x172: {  	v5 =	vld [tilespmem:s22+$0x0];
	v7 =	vmul.f32 v8, v7  }
0x173: {  	v8 =	vld [tilespmem:s22+$0x2800]  }
0x174: {  	s23 =	sor.u32 s0, s6;
	[tilespmem:v1+s25+$0x0] =	vst.idx.add.f32.msk $0xffff, v7  }
0x175: {  	v6 =	vmul.f32 v10, v6;
	v7 =	vld [tilespmem:s23+$0x0]  }
0x176: {  	v10 =	vld [tilespmem:s23+$0x2800]  }
0x177: {  	s24 =	sor.u32 s2, s6;
	[tilespmem:v3+s25+$0x0] =	vst.idx.add.f32.msk $0xffff, v6  }
0x178: {  	v6 =	vld [tilespmem:s24+$0x0];
	v5 =	vmul.f32 v8, v5  }
0x179: {  	v8 =	vld [tilespmem:s24+$0x2800]  }
0x17a: {  	s25 =	sor.u32 s1, s13;
	[tilespmem:v2+s14+$0x0] =	vst.idx.add.f32.msk $0xffff, v5  }
0x17b: {  	v5 =	vld [tilespmem:s25+$0x0];
	v7 =	vmul.f32 v10, v7  }
0x17c: {  	v10 =	vld [tilespmem:s25+$0x2800]  }
0x17d: {  	s26 =	sor.u32 s0, s13;
	[tilespmem:v1+s14+$0x0] =	vst.idx.add.f32.msk $0xffff, v7  }
0x17e: {  	v6 =	vmul.f32 v8, v6;
	v7 =	vld [tilespmem:s26+$0x0]  }
0x17f: {  	v8 =	vld [tilespmem:s26+$0x2800]  }
0x180: {  	s29 =	sor.u32 s2, s13;
	[tilespmem:v3+s14+$0x0] =	vst.idx.add.f32.msk $0xffff, v6  }
0x181: {  	v6 =	vmul.f32 v11, v9;
	v9 =	vld [tilespmem:s29+$0x0]  }
0x182: {  	v11 =	vld [tilespmem:s29+$0x2800];
	v5 =	vmul.f32 v10, v5  }
0x183: {  	[tilespmem:v4+s12+$0x0] =	vst.idx.add.f32.msk $0xffff, v6  }
0x184: {  	s1 =	sor.u32 s1, s3;
	[tilespmem:v2+s11+$0x0] =	vst.idx.add.f32.msk $0xffff, v5  }
0x185: {  	v6 =	vld [tilespmem:s1+$0x0];
	v4 =	vmul.f32 v8, v7  }
0x186: {  	s31 =	simm.s32 $0x5500;
	s28 =	simm.s32 $0x16670;
	s10 =	simm.s32 $0x200;
	v7 =	vld [tilespmem:s1+$0x2800]  }
0x187: {  	s9 =	simm.s32 $0x0;
	s21 =	simm.s32 $0x7C10;
	s22 =	simm.s32 $0xA320  }
0x188: {  	s23 =	simm.s32 $0xCA30;
	s24 =	simm.s32 $0xF140;
	s1 =	sor.u32 s0, s3;
	[tilespmem:v1+s11+$0x0] =	vst.idx.add.f32.msk $0xffff, v4;
	v8 =	vmul.f32 v11, v9  }
0x189: {  	s25 =	simm.s32 $0x11850;
	s26 =	simm.s32 $0x13F60;
	s0 =	sor.u32 s2, s3;
	v5 =	vld [tilespmem:s1+$0x0];
	v4 =	vmov v3  }
.LBB2_7:
0x18a: {  	s12 =	sand.u32 $0x1C00, s10;
	[tilespmem:v3+s26+$0x0] =	vst.idx.add.f32.msk $0xffff, v8;
	s16 =	sadd.s32 $0x40, s16  }
0x18b: {  	s8 =	sadd.s32 $0x40, s8;
	s3 =	sadd.s32 $0x1400, s12;
	s11 =	sand.u32 $0x70, s16;
	v8 =	vmul.f32 v7, v6;
	v3 =	vld [tilespmem:s1+$0x2800]  }
0x18c: {  	s1 =	sadd.s32 $0xFFFFFFD0, s16;
	s2 =	sadd.s32 $0xFFFFFFE0, s16;
	v6 =	vld [tilespmem:s8+$0x0];
	s4 =	sor.u32 s11, s3  }
0x18d: {  	s5 =	sadd.s32 $0xFFFFFFF0, s16;
	s1 =	sand.u32 $0x40, s1;
	s2 =	sand.u32 $0x50, s2;
	v7 =	vld [tilespmem:s4+$0x0]  }
0x18e: {  	s13 =	sand.u32 $0x60, s5;
	s6 =	sor.u32 s1, s3;
	s7 =	sor.u32 s2, s3;
	v9 =	vld [tilespmem:s4+$0x2800]  }
0x18f: {  	s3 =	sor.u32 s13, s3;
	v10 =	vld [tilespmem:s6+$0x0]  }
0x190: {  	v11 =	vld [tilespmem:s6+$0x2800];
	v5 =	vmul.f32 v3, v5  }
0x191: {  	v3 =	vld [tilespmem:s7+$0x0]  }
0x192: {  	s9 =	sadd.s32 $0x4, s9;
	v12 =	vld [tilespmem:s7+$0x2800]  }
0x193: {  	p1 =	slt.u32 s9, $0x24;
	v13 =	vld [tilespmem:s3+$0x0];
	v7 =	vmul.f32 v9, v7  }
0x194: {  	s4 =	sadd.s32 $0x1480, s12;
	v9 =	vld [tilespmem:s3+$0x2800]  }
0x195: {  	s14 =	sor.u32 s2, s4;
	s5 =	sor.u32 s11, s4;
	s3 =	sor.u32 s1, s4;
	v10 =	vmul.f32 v11, v10;
	[tilespmem:v6+s31+$0x0] =	vst.idx.add.f32.msk $0xffff, v7  }
0x196: {  	s4 =	sor.u32 s13, s4;
	v11 =	vld [tilespmem:s5+$0x0]  }
0x197: {  	v12 =	vmul.f32 v12, v3;
	v14 =	vld [tilespmem:s5+$0x2800]  }
0x198: {  	v7 =	vld [tilespmem:s8+$0xFFFFFFE0]  }
0x199: {  	v3 =	vld [tilespmem:s8+$0xFFFFFFF0];
	v9 =	vmul.f32 v9, v13  }
0x19a: {  	v13 =	vld [tilespmem:s8+$0xFFFFFFD0]  }
0x19b: {  	v15 =	vld [tilespmem:s0+$0x0]  }
0x19c: {  	v11 =	vmul.f32 v14, v11;
	v14 =	vld [tilespmem:s0+$0x2800]  }
0x19d: {  	s0 =	sadd.s32 $0x1500, s12;
	[tilespmem:v2+s28+$0x0] =	vst.idx.add.f32.msk $0xffff, v8  }
0x19e: {  	s18 =	sor.u32 s1, s0;
	s6 =	sor.u32 s2, s0;
	s7 =	sor.u32 s11, s0;
	[tilespmem:v6+s21+$0x0] =	vst.idx.add.f32.msk $0xffff, v11  }
0x19f: {  	s5 =	sor.u32 s13, s0;
	v11 =	vld [tilespmem:s7+$0x0];
	v2 =	vmov v13  }
0x1a0: {  	v16 =	vld [tilespmem:s7+$0x2800]  }
0x1a1: {  	[tilespmem:v7+s31+$0x0] =	vst.idx.add.f32.msk $0xffff, v12;
	v8 =	vmul.f32 v14, v15  }
0x1a2: {  	[tilespmem:v13+s31+$0x0] =	vst.idx.add.f32.msk $0xffff, v10  }
0x1a3: {  	[tilespmem:v3+s31+$0x0] =	vst.idx.add.f32.msk $0xffff, v9  }
0x1a4: {  	v9 =	vld [tilespmem:s3+$0x0]  }
0x1a5: {  	v10 =	vld [tilespmem:s3+$0x2800];
	v11 =	vmul.f32 v16, v11  }
0x1a6: {  	s3 =	sadd.s32 $0x1580, s12;
	v12 =	vld [tilespmem:s14+$0x0]  }
0x1a7: {  	s7 =	sor.u32 s1, s3;
	s0 =	sor.u32 s2, s3;
	s19 =	sor.u32 s11, s3;
	[tilespmem:v6+s22+$0x0] =	vst.idx.add.f32.msk $0xffff, v11  }
0x1a8: {  	s17 =	sor.u32 s13, s3;
	v11 =	vld [tilespmem:s19+$0x0]  }
0x1a9: {  	v13 =	vld [tilespmem:s19+$0x2800]  }
0x1aa: {  	v9 =	vmul.f32 v10, v9;
	v10 =	vld [tilespmem:s14+$0x2800]  }
0x1ab: {  	v14 =	vld [tilespmem:s4+$0x0]  }
0x1ac: {  	v15 =	vld [tilespmem:s4+$0x2800]  }
0x1ad: {  	[tilespmem:v2+s21+$0x0] =	vst.idx.add.f32.msk $0xffff, v9  }
0x1ae: {  	v9 =	vld [tilespmem:s18+$0x0];
	v11 =	vmul.f32 v13, v11  }
0x1af: {  	s4 =	sadd.s32 $0x1600, s12;
	v13 =	vld [tilespmem:s18+$0x2800];
	v10 =	vmul.f32 v10, v12  }
0x1b0: {  	s29 =	sor.u32 s1, s4;
	s3 =	sor.u32 s2, s4;
	s14 =	sor.u32 s11, s4;
	[tilespmem:v6+s23+$0x0] =	vst.idx.add.f32.msk $0xffff, v11  }
0x1b1: {  	s4 =	sor.u32 s13, s4;
	v11 =	vmul.f32 v15, v14;
	v12 =	vld [tilespmem:s14+$0x0]  }
0x1b2: {  	v14 =	vld [tilespmem:s14+$0x2800]  }
0x1b3: {  	[tilespmem:v7+s21+$0x0] =	vst.idx.add.f32.msk $0xffff, v10  }
0x1b4: {  	v9 =	vmul.f32 v13, v9;
	[tilespmem:v3+s21+$0x0] =	vst.idx.add.f32.msk $0xffff, v11  }
0x1b5: {  	v10 =	vld [tilespmem:s6+$0x0]  }
0x1b6: {  	v11 =	vld [tilespmem:s6+$0x2800]  }
0x1b7: {  	v13 =	vld [tilespmem:s5+$0x0];
	v12 =	vmul.f32 v14, v12  }
0x1b8: {  	s14 =	sadd.s32 $0x1680, s12;
	v14 =	vld [tilespmem:s5+$0x2800]  }
0x1b9: {  	s18 =	sor.u32 s1, s14;
	s19 =	sor.u32 s11, s14;
	s6 =	sor.u32 s2, s14;
	[tilespmem:v6+s24+$0x0] =	vst.idx.add.f32.msk $0xffff, v12  }
0x1ba: {  	s5 =	sor.u32 s13, s14;
	v12 =	vld [tilespmem:s19+$0x0]  }
0x1bb: {  	v10 =	vmul.f32 v11, v10;
	v11 =	vld [tilespmem:s19+$0x2800]  }
0x1bc: {  	[tilespmem:v2+s22+$0x0] =	vst.idx.add.f32.msk $0xffff, v9  }
0x1bd: {  	[tilespmem:v7+s22+$0x0] =	vst.idx.add.f32.msk $0xffff, v10;
	v9 =	vmul.f32 v14, v13  }
0x1be: {  	v10 =	vld [tilespmem:s7+$0x0]  }
0x1bf: {  	[tilespmem:v3+s22+$0x0] =	vst.idx.add.f32.msk $0xffff, v9  }
0x1c0: {  	v9 =	vld [tilespmem:s7+$0x2800];
	v11 =	vmul.f32 v11, v12  }
0x1c1: {  	s14 =	sadd.s32 $0x1700, s12;
	v12 =	vld [tilespmem:s0+$0x0]  }
0x1c2: {  	s20 =	sor.u32 s11, s14;
	s19 =	sor.u32 s1, s14;
	s7 =	sor.u32 s2, s14;
	[tilespmem:v6+s25+$0x0] =	vst.idx.add.f32.msk $0xffff, v11  }
0x1c3: {  	s14 =	sor.u32 s13, s14;
	v11 =	vld [tilespmem:s20+$0x0]  }
0x1c4: {  	v13 =	vld [tilespmem:s20+$0x2800]  }
0x1c5: {  	v9 =	vmul.f32 v9, v10;
	v10 =	vld [tilespmem:s0+$0x2800]  }
0x1c6: {  	v14 =	vld [tilespmem:s17+$0x0]  }
0x1c7: {  	v15 =	vld [tilespmem:s17+$0x2800]  }
0x1c8: {  	[tilespmem:v2+s23+$0x0] =	vst.idx.add.f32.msk $0xffff, v9  }
0x1c9: {  	v9 =	vld [tilespmem:s29+$0x0];
	v11 =	vmul.f32 v13, v11  }
0x1ca: {  	s0 =	sadd.s32 $0x1780, s12;
	v13 =	vld [tilespmem:s29+$0x2800];
	v10 =	vmul.f32 v10, v12  }
0x1cb: {  	s12 =	sor.u32 s1, s0;
	s1 =	sor.u32 s2, s0;
	s2 =	sor.u32 s11, s0;
	[tilespmem:v6+s26+$0x0] =	vst.idx.add.f32.msk $0xffff, v11  }
0x1cc: {  	s0 =	sor.u32 s13, s0;
	v11 =	vmul.f32 v15, v14;
	v12 =	vld [tilespmem:s2+$0x0]  }
0x1cd: {  	v14 =	vld [tilespmem:s2+$0x2800]  }
0x1ce: {  	[tilespmem:v7+s23+$0x0] =	vst.idx.add.f32.msk $0xffff, v10  }
0x1cf: {  	v9 =	vmul.f32 v13, v9;
	[tilespmem:v3+s23+$0x0] =	vst.idx.add.f32.msk $0xffff, v11  }
0x1d0: {  	v10 =	vld [tilespmem:s3+$0x0]  }
0x1d1: {  	v11 =	vld [tilespmem:s3+$0x2800]  }
0x1d2: {  	v13 =	vld [tilespmem:s4+$0x0];
	v12 =	vmul.f32 v14, v12  }
0x1d3: {  	v14 =	vld [tilespmem:s4+$0x2800]  }
0x1d4: {  	[tilespmem:v6+s28+$0x0] =	vst.idx.add.f32.msk $0xffff, v12  }
0x1d5: {  	[tilespmem:v2+s24+$0x0] =	vst.idx.add.f32.msk $0xffff, v9  }
0x1d6: {  	v6 =	vld [tilespmem:s18+$0x0];
	v9 =	vmul.f32 v11, v10  }
0x1d7: {  	v10 =	vld [tilespmem:s18+$0x2800]  }
0x1d8: {  	[tilespmem:v7+s24+$0x0] =	vst.idx.add.f32.msk $0xffff, v9;
	v9 =	vmul.f32 v14, v13  }
0x1d9: {  	v11 =	vld [tilespmem:s6+$0x0]  }
0x1da: {  	[tilespmem:v3+s24+$0x0] =	vst.idx.add.f32.msk $0xffff, v9  }
0x1db: {  	v9 =	vld [tilespmem:s6+$0x2800]  }
0x1dc: {  	v6 =	vmul.f32 v10, v6;
	v10 =	vld [tilespmem:s5+$0x0]  }
0x1dd: {  	v12 =	vld [tilespmem:s5+$0x2800]  }
0x1de: {  	[tilespmem:v2+s25+$0x0] =	vst.idx.add.f32.msk $0xffff, v6  }
0x1df: {  	v6 =	vld [tilespmem:s19+$0x0]  }
0x1e0: {  	v13 =	vld [tilespmem:s19+$0x2800];
	v9 =	vmul.f32 v9, v11  }
0x1e1: {  	[tilespmem:v1+s28+$0x0] =	vst.idx.add.f32.msk $0xffff, v5;
	v1 =	vmov v7  }
0x1e2: {  	[tilespmem:v7+s25+$0x0] =	vst.idx.add.f32.msk $0xffff, v9;
	v5 =	vmul.f32 v12, v10  }
0x1e3: {  	v9 =	vld [tilespmem:s7+$0x0]  }
0x1e4: {  	[tilespmem:v3+s25+$0x0] =	vst.idx.add.f32.msk $0xffff, v5  }
0x1e5: {  	v5 =	vmul.f32 v13, v6;
	v10 =	vld [tilespmem:s7+$0x2800]  }
0x1e6: {  	v11 =	vld [tilespmem:s14+$0x0]  }
0x1e7: {  	v12 =	vld [tilespmem:s14+$0x2800]  }
0x1e8: {  	[tilespmem:v2+s26+$0x0] =	vst.idx.add.f32.msk $0xffff, v5  }
.Ltmp4:
0x1e9: {  	v6 =	vld [tilespmem:s12+$0x0];
	(pc) =	sbr.rel @p1 .LBB2_7-.Ltmp4, $4  }
0x1ea: {  	v7 =	vld [tilespmem:s12+$0x2800];
	v5 =	vmul.f32 v10, v9  }
0x1eb: {  	[tilespmem:v4+s28+$0x0] =	vst.idx.add.f32.msk $0xffff, v8;
	v4 =	vmov v3  }
0x1ec: {  	[tilespmem:v1+s26+$0x0] =	vst.idx.add.f32.msk $0xffff, v5;
	v8 =	vmul.f32 v12, v11  }
0x1ed: {  	s10 =	sadd.s32 $0x200, s10;
	v5 =	vld [tilespmem:s1+$0x0]  }
0x1ee: {  	_ =	sdelay $0x3  }
0x1ef: {  	[tilespmem:v3+s26+$0x0] =	vst.idx.add.f32.msk $0xffff, v8  }
0x1f0: {  	v3 =	vld [tilespmem:s1+$0x2800]  }
0x1f1: {  	v8 =	vld [tilespmem:s0+$0x0]  }
0x1f2: {  	v9 =	vld [tilespmem:s0+$0x2800];
	_ =	sdelay $0x2  }
.Ltmp5:
0x1f3: {  	v6 =	vmul.f32 v7, v6;
	(pc) =	sbr.rel @p0 .LBB2_10-.Ltmp5, $4  }
0x1f4: {  	v3 =	vmul.f32 v3, v5  }
0x1f5: {  	[tilespmem:v2+s28+$0x0] =	vst.idx.add.f32.msk $0xffff, v6;
	v2 =	vmul.f32 v9, v8  }
0x1f6: {  	[tilespmem:v1+s28+$0x0] =	vst.idx.add.f32.msk $0xffff, v3  }
0x1f7: {  	[tilespmem:v4+s28+$0x0] =	vst.idx.add.f32.msk $0xffff, v2  }
0x1f8: {  	s0 =	sadd.s32 $0x3, s15  }
0x1f9: {  	s1 =	smul.u32 $0x1400, s0  }
0x1fa: {  	s2 =	rddreg [dreg:$0x5]  }
0x1fb: {  	s1 =	sadd.s32 s2, s1  }
0x1fc: {  	s18 =	rddreg [dreg:$0x0];
	s3 =	simm.s32 $0x0;
	s1 =	sshrl.u32 s1, $0x3  }
0x1fd: {  	s4 =	simm.s32 $0x1400;
	s19 =	rddreg [dreg:$0x1];
	s2 =	sadd.s32 s18, s1  }
0x1fe: {  	[tilespmem:s4], [sflag:$0x2] =	stream.linear.gather [hbm4b:s2+s3], $0x1400, $0x38;
	[tilespmem:$0x18D80] =	vst v63  }
0x1ff: {  	s20 =	simm.s32 $0x3C00;
	s0 =	smul.u32 $0x50, s0;
	s1 =	sadd.s32 s19, s1  }
0x200: {  	[tilespmem:s20], [sflag:$0x2] =	stream.linear.gather [hbm4b:s1+s3], $0x1400, $0x38;
	[tilespmem:$0x18D80] =	vst v63  }
.Ltmp6:
0x201: {  	_ = 	snop;
	(pc) =	sbr.rel .LBB2_4-.Ltmp6, $4  }
0x202: {  	s29 =	simm.s32 $0x5280;
	s0 =	sadd.s32 s30, s0;
	s30 =	rddreg [dreg:$0xe]  }
0x203: {  	[tilespmem:s29], [sflag:$0x2] =	stream.linear.gather [hbm4b:s0+s3], $0x280, $0x38;
	[tilespmem:$0x18D80] =	vst v63  }
0x204: {  	s0 =	sadd.s32 $0x1, s30  }
0x205: {  	[dreg:$0xe] =	wrdreg s0  }
.LBB2_11:
0x206: {  	_ =	sfence.sel $0x180000  }
0x207: {  	[bflag:$0x0] =	sbarrier.arrive $0xFFFF  }
0x208: {  	_ =	strace $0x90000047  }
0x209: {  	s0 =	stileid.u32;
	[bflag:$0x2] =	sbarrier.arrive $0xFFFF  }
0x20a: {  	p0 =	sne.s32 s0, $0x0;
	s0 =	rddreg [dreg:$0x4]  }
0x20b: {  	s0 =	sadd.s32 @!p0 $0x100000, s0  }
0x20c: {  	[sflag:s0] =	ssyncadd.tile.s32 @!p0 $0x1;
	_ =	shalt  }
.Lfunc_end2:
_tile_overlayer_lowered:
.L_overlay_start_2:
0x20d: {  	(tag) =	ssettag $0x2  }
0x20e: {  	s0 =	rddreg [dreg:$0x0];
	s2 =	stileid.u32  }
0x20f: {  	s1 =	rddreg [dreg:$0x1];
	p0 =	sne.s32 s2, $0x0  }
0x210: {  	s3 =	rddreg [dreg:$0x2];
	[bflag:$0x3] =	sbarrier.arrive $0xFFFF;
	s2 =	simm.s32 @!p0 $0x1C03  }
0x211: {  	[timem:s3], [sflag:s2] =	dma.local @!p0 [hbm:s0], s1  }
0x212: {  	s0 =	simm.s32 @!p0 $0x3  }
0x213: {  	_ =	swait.ge @!p0 [sflag:s0], s1  }
0x214: {  	s1 =	ssub.s32 @!p0 $0x0, s1;
	[sflag:s0] =	ssyncset.done @!p0 $0x0  }
0x215: {  	[sflag:s0] =	ssyncadd.s32 @!p0 s1  }
0x216: {  	[bflag:$0x3] =	sbarrier.arrive $0xFFFF  }
0x217: {  	_ =	shalt  }

</sc_bundles>
